<compile_context>
chip_gen: v7x
topology: tpu7x:2x2x1
jax: 0.10.2.dev20260603
libtpu: 0.0.44.dev20260713+nightly
codegen_flags: <defaults>
</compile_context>

<pallas_src>
import functools

import jax
import jax.numpy as jnp
from jax import lax
from jax.experimental import pallas as pl
from jax.experimental.pallas import tpu as pltpu
from jax.experimental.pallas import tpu_sc as plsc

NC = 2
NS = 16
LANES = 16

K = 80
ZROWS = K


def _half_store(ref, x, d_half):
    ref[0] = x[:, :d_half]
    ref[1] = x[:, d_half:]


def _node_linear(h, wa, ba, wb, bb, wd, bd, we, be):
    n, d = h.shape
    dh_ = d // 2

    def body(h_ref, wa_ref, ba_ref, wb_ref, bb_ref, wd_ref, bd_ref,
             we_ref, be_ref, ah_ref, p_ref, eh_ref):
        hv = h_ref[...]

        def mm(w_ref, b_ref):
            return jnp.dot(hv, w_ref[...],
                           preferred_element_type=jnp.float32) + b_ref[...]

        ah_ref[...] = mm(wa_ref, ba_ref)
        bh = mm(wb_ref, bb_ref)
        dh = mm(wd_ref, bd_ref)
        p_ref[0] = jnp.concatenate([dh[:, :dh_], bh[:, :dh_]], axis=1)
        p_ref[1] = jnp.concatenate([dh[:, dh_:], bh[:, dh_:]], axis=1)
        eh_ref[...] = mm(we_ref, be_ref)

    return pl.pallas_call(
        body,
        out_shape=[jax.ShapeDtypeStruct((n, d), jnp.float32),
                   jax.ShapeDtypeStruct((2, n, d), jnp.float32),
                   jax.ShapeDtypeStruct((n, d), jnp.float32)],
    )(h, wa, ba, wb, bb, wd, bd, we, be)


def _edge_linear(e, wc, bc, block_e):
    ee, d = e.shape
    dh_ = d // 2

    def body(e_ref, w_ref, b_ref, out_ref):
        x = jnp.dot(e_ref[...], w_ref[...],
                    preferred_element_type=jnp.float32) + b_ref[...]
        _half_store(out_ref, x, dh_)

    return pl.pallas_call(
        body,
        grid=(ee // block_e,),
        in_specs=[
            pl.BlockSpec((block_e, d), lambda i: (i, 0)),
            pl.BlockSpec((d, d), lambda i: (0, 0)),
            pl.BlockSpec((1, d), lambda i: (0, 0)),
        ],
        out_specs=pl.BlockSpec((2, block_e, dh_), lambda i: (0, i, 0)),
        out_shape=jax.ShapeDtypeStruct((2, ee, dh_), jnp.float32),
    )(e, wc, bc)


def _sc_edge_pass(ce_s, p_s, eh_f, src, dst, n, ee):
    dh_ = ce_s.shape[-1]
    d = 2 * dh_
    epw = ee // NS
    nch = epw // K
    nzt = n // ZROWS
    nzc = (nzt + NS - 1) // NS
    ngr = dh_ // LANES

    mesh = plsc.VectorSubcoreMesh(core_axis_name="c", subcore_axis_name="s")

    @functools.partial(
        pl.kernel,
        mesh=mesh,
        out_type=[
            jax.ShapeDtypeStruct((2, ee, dh_), jnp.float32),
            jax.ShapeDtypeStruct((2, n, d), jnp.float32),
            jax.ShapeDtypeStruct((2, NS, 8, dh_), jnp.float32),
            jax.ShapeDtypeStruct((2, NS, 8, dh_), jnp.float32),
        ],
        scratch_types=[
            pltpu.VMEM((K,), jnp.int32),
            pltpu.VMEM((K,), jnp.int32),
            pltpu.VMEM((K, dh_), jnp.float32),
            pltpu.VMEM((K, d), jnp.float32),
            pltpu.VMEM((K, d), jnp.float32),
            pltpu.VMEM((K, d), jnp.float32),
            pltpu.VMEM((16, dh_), jnp.float32),
            pltpu.VMEM_SHARED((n, d), jnp.float32),
            pltpu.SemaphoreType.DMA,
        ],
    )
    def sc_kernel(ce_hbm, p_hbm, eh_hbm, src_hbm, dst_hbm,
                  eij_hbm, nd_hbm, ssum_hbm, ssq_hbm,
                  srcv, dstv, cebuf, pbuf, ehbuf, cbuf, statbuf,
                  acc_sh, sem):
        c = lax.axis_index("c")
        s = lax.axis_index("s")
        zero = jnp.zeros((LANES,), jnp.float32)

        @pl.loop(0, ZROWS)
        def _zrow(i):
            for j in range(2 * ngr):
                cbuf[i, pl.ds(j * LANES, LANES)] = zero

        @pl.loop(0, 16)
        def _zstat(i):
            for j in range(ngr):
                statbuf[i, pl.ds(j * LANES, LANES)] = zero

        @pl.loop(0, nzc)
        def _zchunk(k):
            ci = s + k * NS

            @pl.when(ci < nzt)
            def _():
                pltpu.sync_copy(cbuf, acc_sh.at[pl.ds(ci * ZROWS, ZROWS)])

        plsc.subcore_barrier()

        @pl.loop(0, nch)
        def _chunk(t):
            base = s * epw + t * K
            pltpu.sync_copy(src_hbm.at[pl.ds(base, K)], srcv)
            pltpu.sync_copy(dst_hbm.at[pl.ds(base, K)], dstv)
            pltpu.sync_copy(ce_hbm.at[c].at[pl.ds(base, K)], cebuf)
            pltpu.sync_copy(p_hbm.at[c].at[srcv], pbuf)
            pltpu.sync_copy(eh_hbm.at[dstv], ehbuf)

            def row(i, carry):
                acc = list(carry)
                for j in range(ngr):
                    slc = pl.ds(j * LANES, LANES)
                    hslc = pl.ds(dh_ + j * LANES, LANES)
                    x = (cebuf[i, slc] + pbuf[i, slc]
                         + ehbuf[i, pl.ds(c * dh_ + j * LANES, LANES)])
                    cebuf[i, slc] = x
                    sg = 1.0 / (1.0 + jnp.exp(-x))
                    cbuf[i, hslc] = sg
                    cbuf[i, slc] = sg * pbuf[i, hslc]
                    acc[j] = acc[j] + x
                    acc[ngr + j] = acc[ngr + j] + x * x
                return tuple(acc)

            init = tuple(statbuf[0, pl.ds(j * LANES, LANES)] for j in range(ngr)) \
                 + tuple(statbuf[8, pl.ds(j * LANES, LANES)] for j in range(ngr))
            fin = lax.fori_loop(0, K, row, init)
            for j in range(ngr):
                statbuf[0, pl.ds(j * LANES, LANES)] = fin[j]
                statbuf[8, pl.ds(j * LANES, LANES)] = fin[ngr + j]

            pltpu.sync_copy(cebuf, eij_hbm.at[c].at[pl.ds(base, K)])
            pltpu.sync_copy(cbuf, acc_sh.at[dstv], add=True)

        pltpu.sync_copy(statbuf.at[pl.ds(0, 8)], ssum_hbm.at[c].at[s])
        pltpu.sync_copy(statbuf.at[pl.ds(8, 8)], ssq_hbm.at[c].at[s])

        plsc.subcore_barrier()

        @pl.loop(0, nzc)
        def _dump(k):
            ci = s + k * NS

            @pl.when(ci < nzt)
            def _():
                r0 = ci * ZROWS
                pltpu.sync_copy(acc_sh.at[pl.ds(r0, ZROWS)],
                                nd_hbm.at[c].at[pl.ds(r0, ZROWS)])

    return sc_kernel(ce_s, p_s, eh_f, src, dst)


def _finalize_h(ah, nd_s, ssum, ssq, bnhw, bnhb, bnew, bneb, ee):
    n, d = ah.shape
    dh_ = d // 2

    def body(ah_ref, nd_ref, ssum_ref, ssq_ref,
             bnhw_ref, bnhb_ref, bnew_ref, bneb_ref, hout_ref, ess_ref):
        num = jnp.concatenate([nd_ref[0][:, :dh_], nd_ref[1][:, :dh_]], axis=1)
        den = jnp.concatenate([nd_ref[0][:, dh_:], nd_ref[1][:, dh_:]], axis=1)
        hpre = ah_ref[...] + num / (den + 1e-6)
        mean = jnp.mean(hpre, axis=0, keepdims=True)
        var = jnp.mean((hpre - mean) ** 2, axis=0, keepdims=True)
        hn = (hpre - mean) * lax.rsqrt(var + 1e-5) * bnhw_ref[...] + bnhb_ref[...]
        hout_ref[...] = jnp.maximum(hn, 0.0)

        def red(ref, i):
            x = ref[i]
            return jnp.sum(x.reshape(x.shape[0] * x.shape[1], x.shape[2]),
                           axis=0, keepdims=True)

        esum = jnp.concatenate([red(ssum_ref, 0), red(ssum_ref, 1)], axis=1)
        esq = jnp.concatenate([red(ssq_ref, 0), red(ssq_ref, 1)], axis=1)
        inv_e = 1.0 / float(ee)
        emean = esum * inv_e
        evar = esq * inv_e - emean * emean
        escale = bnew_ref[...] * lax.rsqrt(evar + 1e-5)
        eshift = bneb_ref[...] - emean * escale
        ess_ref[0:1] = escale
        ess_ref[1:2] = eshift

    return pl.pallas_call(
        body,
        out_shape=[jax.ShapeDtypeStruct((n, d), jnp.float32),
                   jax.ShapeDtypeStruct((2, d), jnp.float32)],
    )(ah, nd_s, ssum, ssq, bnhw, bnhb, bnew, bneb)


def _apply_e(eij_s, ess, block_e):
    _, ee, dh_ = eij_s.shape
    d = 2 * dh_

    def body(eij_ref, ess_ref, out_ref):
        x = jnp.concatenate([eij_ref[0], eij_ref[1]], axis=1)
        y = x * ess_ref[0:1] + ess_ref[1:2]
        out_ref[...] = jnp.maximum(y, 0.0)

    return pl.pallas_call(
        body,
        grid=(ee // block_e,),
        in_specs=[
            pl.BlockSpec((2, block_e, dh_), lambda i: (0, i, 0)),
            pl.BlockSpec((2, d), lambda i: (0, 0)),
        ],
        out_specs=pl.BlockSpec((block_e, d), lambda i: (i, 0)),
        out_shape=jax.ShapeDtypeStruct((ee, d), jnp.float32),
    )(eij_s, ess)


def kernel(h, e, edge_index, A_w, A_b, B_w, B_b, C_w, C_b, D_w, D_b,
           E_w, E_b, bn_h_w, bn_h_b, bn_e_w, bn_e_b):
    n, d = h.shape
    ee = e.shape[0]
    src = edge_index[0]
    dst = edge_index[1]
    row = lambda v: v.reshape(1, -1)

    ah, p_s, eh_f = _node_linear(
        h, A_w.T, row(A_b), B_w.T, row(B_b), D_w.T, row(D_b), E_w.T, row(E_b))
    ce_s = _edge_linear(e, C_w.T, row(C_b), block_e=4000)
    eij_s, nd_s, ssum, ssq = _sc_edge_pass(
        ce_s, p_s, eh_f, src, dst, n, ee)
    h_out, ess = _finalize_h(
        ah, nd_s, ssum, ssq,
        row(bn_h_w), row(bn_h_b), row(bn_e_w), row(bn_e_b), ee)
    e_out = _apply_e(eij_s, ess, block_e=4000)
    return (h_out, e_out)

# --- scband reference (transcript-rebuilt; emitter-appended) ---
"""Pipeline reference for scband-gated-gcnlayer-26474178413022 (READ-ONLY COPY).

The authoritative reference and input builder live on the scoring server;
editing this copy changes nothing except your own understanding.
"""

import jax, jax.numpy as jnp
import numpy as np

N = 10000
E_EDGES = 320000
D = 128

def setup_inputs(seed: int = 0) -> dict:
    key = jax.random.key(seed)
    ks = jax.random.split(key, 20)
    h = jax.random.normal(ks[0], (N, D), dtype=jnp.float32)
    e = jax.random.normal(ks[1], (E_EDGES, D), dtype=jnp.float32)
    edge_index = jax.random.randint(ks[2], (2, E_EDGES), 0, N, dtype=jnp.int32)
    s = 1.0 / np.sqrt(D)
    def lin(k1, k2):
        W = jax.random.uniform(k1, (D, D), dtype=jnp.float32, minval=-s, maxval=s)
        b = jax.random.uniform(k2, (D,), dtype=jnp.float32, minval=-s, maxval=s)
        return W, b
    A_w, A_b = lin(ks[3], ks[4])
    B_w, B_b = lin(ks[5], ks[6])
    C_w, C_b = lin(ks[7], ks[8])
    D_w, D_b = lin(ks[9], ks[10])
    E_w, E_b = lin(ks[11], ks[12])
    bn_h_w = jnp.ones((D,), dtype=jnp.float32)
    bn_h_b = jnp.zeros((D,), dtype=jnp.float32)
    bn_e_w = jnp.ones((D,), dtype=jnp.float32)
    bn_e_b = jnp.zeros((D,), dtype=jnp.float32)
    return {"h": h, "e": e, "edge_index": edge_index,
            "A_w": A_w, "A_b": A_b, "B_w": B_w, "B_b": B_b,
            "C_w": C_w, "C_b": C_b, "D_w": D_w, "D_b": D_b,
            "E_w": E_w, "E_b": E_b,
            "bn_h_w": bn_h_w, "bn_h_b": bn_h_b,
            "bn_e_w": bn_e_w, "bn_e_b": bn_e_b}

def _batchnorm(x, w, b, eps=1e-5):
    mean = jnp.mean(x, axis=0)
    var = jnp.mean((x - mean) ** 2, axis=0)
    return (x - mean) / jnp.sqrt(var + eps) * w + b

def reference(h, e, edge_index, A_w, A_b, B_w, B_b, C_w, C_b, D_w, D_b, E_w, E_b, bn_h_w, bn_h_b, bn_e_w, bn_e_b):
    src = edge_index[0]
    dst = edge_index[1]
    Ah = h @ A_w.T + A_b
    Bh = h @ B_w.T + B_b
    Ce = e @ C_w.T + C_b
    Dh = h @ D_w.T + D_b
    Eh = h @ E_w.T + E_b
    # message: e_ij = Ce + Dh[src] + Eh[dst]
    e_ij = Ce + jnp.take(Dh, src, axis=0) + jnp.take(Eh, dst, axis=0)
    sigma = jax.nn.sigmoid(e_ij)
    Bh_j = jnp.take(Bh, src, axis=0)
    num = jax.ops.segment_sum(sigma * Bh_j, dst, num_segments=N)
    den = jax.ops.segment_sum(sigma, dst, num_segments=N)
    h_out = Ah + num / (den + 1e-6)
    h_out = jax.nn.relu(_batchnorm(h_out, bn_h_w, bn_h_b))
    e_out = jax.nn.relu(_batchnorm(e_ij, bn_e_w, bn_e_b))
    return (h_out, e_out)

if __name__ == "__main__":
    import jax
    _d = setup_inputs()
    print(jax.jit(kernel)(*tuple(_d.values())))

</pallas_src>

<mosaic_0001>
#map = affine_map<(d0, d1) -> (0, 0, 0)>
#map1 = affine_map<(d0, d1) -> (0, 0)>
#map2 = affine_map<(d0, d1) -> (0)>
#map3 = affine_map<(d0, d1) -> (0, 0, 0, 0)>
module attributes {stable_mosaic.version = 14 : i64} {
  func.func @sc_kernel(%arg0: i32, %arg1: i32, %arg2: memref<2x320000x64xf32, #tpu.memory_space<hbm>>, %arg3: memref<2x10000x128xf32, #tpu.memory_space<hbm>>, %arg4: memref<10000x128xf32, #tpu.memory_space<hbm>>, %arg5: memref<320000xi32, #tpu.memory_space<hbm>>, %arg6: memref<320000xi32, #tpu.memory_space<hbm>>, %arg7: memref<2x320000x64xf32, #tpu.memory_space<hbm>>, %arg8: memref<2x10000x128xf32, #tpu.memory_space<hbm>>, %arg9: memref<2x16x8x64xf32, #tpu.memory_space<hbm>>, %arg10: memref<2x16x8x64xf32, #tpu.memory_space<hbm>>, %arg11: memref<80xi32, #tpu.memory_space<vmem>>, %arg12: memref<80xi32, #tpu.memory_space<vmem>>, %arg13: memref<80x64xf32, #tpu.memory_space<vmem>>, %arg14: memref<80x128xf32, #tpu.memory_space<vmem>>, %arg15: memref<80x128xf32, #tpu.memory_space<vmem>>, %arg16: memref<80x128xf32, #tpu.memory_space<vmem>>, %arg17: memref<16x64xf32, #tpu.memory_space<vmem>>, %arg18: memref<10000x128xf32, #tpu.memory_space<vmem_shared>>, %arg19: memref<!tpu.dma_semaphore, #tpu.memory_space<semaphore_mem>>) attributes {dimension_semantics = [#tpu.dimension_semantics<core_parallel>, #tpu.dimension_semantics<subcore_parallel>], iteration_bounds = array<i64: 2, 16>, scalar_prefetch = 0 : i64, scratch_operands = 9 : i64, tpu.core_type = #tpu.core_type<sc_vector_subcore>, window_params = [{transform_indices = #map}, {transform_indices = #map}, {transform_indices = #map1}, {transform_indices = #map2}, {transform_indices = #map2}, {transform_indices = #map}, {transform_indices = #map}, {transform_indices = #map3}, {transform_indices = #map3}]} {
    %broadcast_in_dim3A = arith.constant 0.000000e+00 : f32
    %broadcast_in_dim3A_0 = vector.broadcast %broadcast_in_dim3A : f32 to vector<16xf32>
    %scan3A = arith.constant 0 : i32
    %scan3A_1 = arith.constant 80 : i32
    %scan3A_2 = arith.addi %scan3A, %scan3A_1 : i32
    %scan3A_3 = arith.constant 1 : i32
    scf.for %scan3A_26 = %scan3A to %scan3A_2 step %scan3A_3  : i32 {
      %mul3A = arith.constant 1 : i32
      %mul3A_27 = arith.muli %scan3A_26, %mul3A : i32
      %add3A = arith.constant 0 : i32
      %add3A_28 = arith.addi %add3A, %mul3A_27 : i32
      %swap3A = arith.index_cast %add3A_28 : i32 to index
      %swap3A_29 = arith.constant 0 : index
      %swap3A_30 = tpu.vector_load %arg16[%swap3A, %swap3A_29] {strides = array<i32>} : memref<80x128xf32, #tpu.memory_space<vmem>>, vector<1x16xf32>,
      %swap3A_31 = vector.shape_cast %swap3A_30 : vector<1x16xf32> to vector<16xf32>
      %swap3A_32 = vector.shape_cast %broadcast_in_dim3A_0 : vector<16xf32> to vector<1x16xf32>
      tpu.vector_store %arg16[%swap3A, %swap3A_29], %swap3A_32 {strides = array<i32>} : memref<80x128xf32, #tpu.memory_space<vmem>>, vector<1x16xf32>,
      %swap3A_33 = arith.index_cast %add3A_28 : i32 to index
      %swap3A_34 = arith.constant 16 : index
      %swap3A_35 = tpu.vector_load %arg16[%swap3A_33, %swap3A_34] {strides = array<i32>} : memref<80x128xf32, #tpu.memory_space<vmem>>, vector<1x16xf32>,
      %swap3A_36 = vector.shape_cast %swap3A_35 : vector<1x16xf32> to vector<16xf32>
      %swap3A_37 = vector.shape_cast %broadcast_in_dim3A_0 : vector<16xf32> to vector<1x16xf32>
      tpu.vector_store %arg16[%swap3A_33, %swap3A_34], %swap3A_37 {strides = array<i32>} : memref<80x128xf32, #tpu.memory_space<vmem>>, vector<1x16xf32>,
      %swap3A_38 = arith.index_cast %add3A_28 : i32 to index
      %swap3A_39 = arith.constant 32 : index
      %swap3A_40 = tpu.vector_load %arg16[%swap3A_38, %swap3A_39] {strides = array<i32>} : memref<80x128xf32, #tpu.memory_space<vmem>>, vector<1x16xf32>,
      %swap3A_41 = vector.shape_cast %swap3A_40 : vector<1x16xf32> to vector<16xf32>
      %swap3A_42 = vector.shape_cast %broadcast_in_dim3A_0 : vector<16xf32> to vector<1x16xf32>
      tpu.vector_store %arg16[%swap3A_38, %swap3A_39], %swap3A_42 {strides = array<i32>} : memref<80x128xf32, #tpu.memory_space<vmem>>, vector<1x16xf32>,
      %swap3A_43 = arith.index_cast %add3A_28 : i32 to index
      %swap3A_44 = arith.constant 48 : index
      %swap3A_45 = tpu.vector_load %arg16[%swap3A_43, %swap3A_44] {strides = array<i32>} : memref<80x128xf32, #tpu.memory_space<vmem>>, vector<1x16xf32>,
      %swap3A_46 = vector.shape_cast %swap3A_45 : vector<1x16xf32> to vector<16xf32>
      %swap3A_47 = vector.shape_cast %broadcast_in_dim3A_0 : vector<16xf32> to vector<1x16xf32>
      tpu.vector_store %arg16[%swap3A_43, %swap3A_44], %swap3A_47 {strides = array<i32>} : memref<80x128xf32, #tpu.memory_space<vmem>>, vector<1x16xf32>,
      %swap3A_48 = arith.index_cast %add3A_28 : i32 to index
      %swap3A_49 = arith.constant 64 : index
      %swap3A_50 = tpu.vector_load %arg16[%swap3A_48, %swap3A_49] {strides = array<i32>} : memref<80x128xf32, #tpu.memory_space<vmem>>, vector<1x16xf32>,
      %swap3A_51 = vector.shape_cast %swap3A_50 : vector<1x16xf32> to vector<16xf32>
      %swap3A_52 = vector.shape_cast %broadcast_in_dim3A_0 : vector<16xf32> to vector<1x16xf32>
      tpu.vector_store %arg16[%swap3A_48, %swap3A_49], %swap3A_52 {strides = array<i32>} : memref<80x128xf32, #tpu.memory_space<vmem>>, vector<1x16xf32>,
      %swap3A_53 = arith.index_cast %add3A_28 : i32 to index
      %swap3A_54 = arith.constant 80 : index
      %swap3A_55 = tpu.vector_load %arg16[%swap3A_53, %swap3A_54] {strides = array<i32>} : memref<80x128xf32, #tpu.memory_space<vmem>>, vector<1x16xf32>,
      %swap3A_56 = vector.shape_cast %swap3A_55 : vector<1x16xf32> to vector<16xf32>
      %swap3A_57 = vector.shape_cast %broadcast_in_dim3A_0 : vector<16xf32> to vector<1x16xf32>
      tpu.vector_store %arg16[%swap3A_53, %swap3A_54], %swap3A_57 {strides = array<i32>} : memref<80x128xf32, #tpu.memory_space<vmem>>, vector<1x16xf32>,
      %swap3A_58 = arith.index_cast %add3A_28 : i32 to index
      %swap3A_59 = arith.constant 96 : index
      %swap3A_60 = tpu.vector_load %arg16[%swap3A_58, %swap3A_59] {strides = array<i32>} : memref<80x128xf32, #tpu.memory_space<vmem>>, vector<1x16xf32>,
      %swap3A_61 = vector.shape_cast %swap3A_60 : vector<1x16xf32> to vector<16xf32>
      %swap3A_62 = vector.shape_cast %broadcast_in_dim3A_0 : vector<16xf32> to vector<1x16xf32>
      tpu.vector_store %arg16[%swap3A_58, %swap3A_59], %swap3A_62 {strides = array<i32>} : memref<80x128xf32, #tpu.memory_space<vmem>>, vector<1x16xf32>,
      %swap3A_63 = arith.index_cast %add3A_28 : i32 to index
      %swap3A_64 = arith.constant 112 : index
      %swap3A_65 = tpu.vector_load %arg16[%swap3A_63, %swap3A_64] {strides = array<i32>} : memref<80x128xf32, #tpu.memory_space<vmem>>, vector<1x16xf32>,
      %swap3A_66 = vector.shape_cast %swap3A_65 : vector<1x16xf32> to vector<16xf32>
      %swap3A_67 = vector.shape_cast %broadcast_in_dim3A_0 : vector<16xf32> to vector<1x16xf32>
      tpu.vector_store %arg16[%swap3A_63, %swap3A_64], %swap3A_67 {strides = array<i32>} : memref<80x128xf32, #tpu.memory_space<vmem>>, vector<1x16xf32>,
    }
    %scan3A_4 = arith.constant 80 : i32
    %scan3A_5 = arith.constant 0 : i32
    %scan3A_6 = arith.constant 16 : i32
    %scan3A_7 = arith.addi %scan3A_5, %scan3A_6 : i32
    %scan3A_8 = arith.constant 1 : i32
    scf.for %scan3A_26 = %scan3A_5 to %scan3A_7 step %scan3A_8  : i32 {
      %mul3A = arith.constant 1 : i32
      %mul3A_27 = arith.muli %scan3A_26, %mul3A : i32
      %add3A = arith.constant 0 : i32
      %add3A_28 = arith.addi %add3A, %mul3A_27 : i32
      %swap3A = arith.index_cast %add3A_28 : i32 to index
      %swap3A_29 = arith.constant 0 : index
      %swap3A_30 = tpu.vector_load %arg17[%swap3A, %swap3A_29] {strides = array<i32>} : memref<16x64xf32, #tpu.memory_space<vmem>>, vector<1x16xf32>,
      %swap3A_31 = vector.shape_cast %swap3A_30 : vector<1x16xf32> to vector<16xf32>
      %swap3A_32 = vector.shape_cast %broadcast_in_dim3A_0 : vector<16xf32> to vector<1x16xf32>
      tpu.vector_store %arg17[%swap3A, %swap3A_29], %swap3A_32 {strides = array<i32>} : memref<16x64xf32, #tpu.memory_space<vmem>>, vector<1x16xf32>,
      %swap3A_33 = arith.index_cast %add3A_28 : i32 to index
      %swap3A_34 = arith.constant 16 : index
      %swap3A_35 = tpu.vector_load %arg17[%swap3A_33, %swap3A_34] {strides = array<i32>} : memref<16x64xf32, #tpu.memory_space<vmem>>, vector<1x16xf32>,
      %swap3A_36 = vector.shape_cast %swap3A_35 : vector<1x16xf32> to vector<16xf32>
      %swap3A_37 = vector.shape_cast %broadcast_in_dim3A_0 : vector<16xf32> to vector<1x16xf32>
      tpu.vector_store %arg17[%swap3A_33, %swap3A_34], %swap3A_37 {strides = array<i32>} : memref<16x64xf32, #tpu.memory_space<vmem>>, vector<1x16xf32>,
      %swap3A_38 = arith.index_cast %add3A_28 : i32 to index
      %swap3A_39 = arith.constant 32 : index
      %swap3A_40 = tpu.vector_load %arg17[%swap3A_38, %swap3A_39] {strides = array<i32>} : memref<16x64xf32, #tpu.memory_space<vmem>>, vector<1x16xf32>,
      %swap3A_41 = vector.shape_cast %swap3A_40 : vector<1x16xf32> to vector<16xf32>
      %swap3A_42 = vector.shape_cast %broadcast_in_dim3A_0 : vector<16xf32> to vector<1x16xf32>
      tpu.vector_store %arg17[%swap3A_38, %swap3A_39], %swap3A_42 {strides = array<i32>} : memref<16x64xf32, #tpu.memory_space<vmem>>, vector<1x16xf32>,
      %swap3A_43 = arith.index_cast %add3A_28 : i32 to index
      %swap3A_44 = arith.constant 48 : index
      %swap3A_45 = tpu.vector_load %arg17[%swap3A_43, %swap3A_44] {strides = array<i32>} : memref<16x64xf32, #tpu.memory_space<vmem>>, vector<1x16xf32>,
      %swap3A_46 = vector.shape_cast %swap3A_45 : vector<1x16xf32> to vector<16xf32>
      %swap3A_47 = vector.shape_cast %broadcast_in_dim3A_0 : vector<16xf32> to vector<1x16xf32>
      tpu.vector_store %arg17[%swap3A_43, %swap3A_44], %swap3A_47 {strides = array<i32>} : memref<16x64xf32, #tpu.memory_space<vmem>>, vector<1x16xf32>,
    }
    %scan3A_9 = arith.constant 16 : i32
    %scan3A_10 = arith.constant 0 : i32
    %scan3A_11 = arith.constant 8 : i32
    %scan3A_12 = arith.addi %scan3A_10, %scan3A_11 : i32
    %scan3A_13 = arith.constant 1 : i32
    scf.for %scan3A_26 = %scan3A_10 to %scan3A_12 step %scan3A_13  : i32 {
      %mul3A = arith.constant 1 : i32
      %mul3A_27 = arith.muli %scan3A_26, %mul3A : i32
      %add3A = arith.constant 0 : i32
      %add3A_28 = arith.addi %add3A, %mul3A_27 : i32
      %mul3A_29 = arith.constant 16 : i32
      %mul3A_30 = arith.muli %add3A_28, %mul3A_29 : i32
      %add3A_31 = arith.addi %arg1, %mul3A_30 : i32
      %lt3A = arith.constant 125 : i32
      %lt3A_32 = arith.cmpi slt, %add3A_31, %lt3A : i32
      %convert_element_type3A = arith.extui %lt3A_32 : i1 to i32
      %cond3A = arith.constant 0 : i32
      %cond3A_33 = arith.cmpi ne, %convert_element_type3A, %cond3A : i32
      scf.if %cond3A_33 {
        %mul3A_34 = arith.constant 80 : i32
        %mul3A_35 = arith.muli %add3A_31, %mul3A_34 : i32
        "tpu.region"() ({
          %run_scoped3A = tpu.sem_alloc : memref<!tpu.dma_semaphore, #tpu.memory_space<semaphore_mem>>
          %dma_start3A = arith.constant 0 : i32
          %dma_start3A_36 = tpu.memref_slice %arg18[%mul3A_35, %dma_start3A] : memref<10000x128xf32, #tpu.memory_space<vmem_shared>> -> memref<80x128xf32, #tpu.memory_space<vmem_shared>>
          %dma_start3A_37 = arith.constant 0 : i32
          %dma_start3A_38 = tpu.memref_slice %arg18[%mul3A_35, %dma_start3A_37] : memref<10000x128xf32, #tpu.memory_space<vmem_shared>> -> memref<80x128xf32, #tpu.memory_space<vmem_shared>>
          tpu.enqueue_dma source(%arg16 : memref<80x128xf32, #tpu.memory_space<vmem>>) target(%dma_start3A_38 : memref<80x128xf32, #tpu.memory_space<vmem_shared>>) target_semaphore(%run_scoped3A : memref<!tpu.dma_semaphore, #tpu.memory_space<semaphore_mem>>)
          %dma_wait3A = arith.constant 0 : i32
          %dma_wait3A_39 = tpu.memref_slice %arg18[%mul3A_35, %dma_wait3A] : memref<10000x128xf32, #tpu.memory_space<vmem_shared>> -> memref<80x128xf32, #tpu.memory_space<vmem_shared>>
          %dma_wait3A_40 = arith.constant 0 : i32
          %dma_wait3A_41 = tpu.memref_slice %arg18[%mul3A_35, %dma_wait3A_40] : memref<10000x128xf32, #tpu.memory_space<vmem_shared>> -> memref<80x128xf32, #tpu.memory_space<vmem_shared>>
          tpu.wait_dma2 semaphore(%run_scoped3A : memref<!tpu.dma_semaphore, #tpu.memory_space<semaphore_mem>>) src(%arg16 : memref<80x128xf32, #tpu.memory_space<vmem>>) dst(%dma_wait3A_41 : memref<80x128xf32, #tpu.memory_space<vmem_shared>>)
          tpu.yield
        }) : () -> ()
      } else {
      }
    }
    %scan3A_14 = arith.constant 8 : i32
    %barrier3A = arith.constant 0 : index
    tpu.barrier barrier_id(%barrier3A)
    %scan3A_15 = arith.constant 0 : i32
    %scan3A_16 = arith.constant 250 : i32
    %scan3A_17 = arith.addi %scan3A_15, %scan3A_16 : i32
    %scan3A_18 = arith.constant 1 : i32
    scf.for %scan3A_26 = %scan3A_15 to %scan3A_17 step %scan3A_18  : i32 {
      %mul3A = arith.constant 1 : i32
      %mul3A_27 = arith.muli %scan3A_26, %mul3A : i32
      %add3A = arith.constant 0 : i32
      %add3A_28 = arith.addi %add3A, %mul3A_27 : i32
      %mul3A_29 = arith.constant 20000 : i32
      %mul3A_30 = arith.muli %arg1, %mul3A_29 : i32
      %mul3A_31 = arith.constant 80 : i32
      %mul3A_32 = arith.muli %add3A_28, %mul3A_31 : i32
      %add3A_33 = arith.addi %mul3A_30, %mul3A_32 : i32
      "tpu.region"() ({
        %run_scoped3A = tpu.sem_alloc : memref<!tpu.dma_semaphore, #tpu.memory_space<semaphore_mem>>
        %dma_start3A = tpu.memref_slice %arg5[%add3A_33] : memref<320000xi32, #tpu.memory_space<hbm>> -> memref<80xi32, #tpu.memory_space<hbm>>
        %dma_start3A_126 = tpu.memref_slice %arg5[%add3A_33] : memref<320000xi32, #tpu.memory_space<hbm>> -> memref<80xi32, #tpu.memory_space<hbm>>
        tpu.enqueue_dma source(%dma_start3A_126 : memref<80xi32, #tpu.memory_space<hbm>>) target(%arg11 : memref<80xi32, #tpu.memory_space<vmem>>) target_semaphore(%run_scoped3A : memref<!tpu.dma_semaphore, #tpu.memory_space<semaphore_mem>>)
        %dma_wait3A = tpu.memref_slice %arg5[%add3A_33] : memref<320000xi32, #tpu.memory_space<hbm>> -> memref<80xi32, #tpu.memory_space<hbm>>
        %dma_wait3A_127 = tpu.memref_slice %arg5[%add3A_33] : memref<320000xi32, #tpu.memory_space<hbm>> -> memref<80xi32, #tpu.memory_space<hbm>>
        tpu.wait_dma2 semaphore(%run_scoped3A : memref<!tpu.dma_semaphore, #tpu.memory_space<semaphore_mem>>) src(%dma_wait3A_127 : memref<80xi32, #tpu.memory_space<hbm>>) dst(%arg11 : memref<80xi32, #tpu.memory_space<vmem>>)
        tpu.yield
      }) : () -> ()
      "tpu.region"() ({
        %run_scoped3A = tpu.sem_alloc : memref<!tpu.dma_semaphore, #tpu.memory_space<semaphore_mem>>
        %dma_start3A = tpu.memref_slice %arg6[%add3A_33] : memref<320000xi32, #tpu.memory_space<hbm>> -> memref<80xi32, #tpu.memory_space<hbm>>
        %dma_start3A_126 = tpu.memref_slice %arg6[%add3A_33] : memref<320000xi32, #tpu.memory_space<hbm>> -> memref<80xi32, #tpu.memory_space<hbm>>
        tpu.enqueue_dma source(%dma_start3A_126 : memref<80xi32, #tpu.memory_space<hbm>>) target(%arg12 : memref<80xi32, #tpu.memory_space<vmem>>) target_semaphore(%run_scoped3A : memref<!tpu.dma_semaphore, #tpu.memory_space<semaphore_mem>>)
        %dma_wait3A = tpu.memref_slice %arg6[%add3A_33] : memref<320000xi32, #tpu.memory_space<hbm>> -> memref<80xi32, #tpu.memory_space<hbm>>
        %dma_wait3A_127 = tpu.memref_slice %arg6[%add3A_33] : memref<320000xi32, #tpu.memory_space<hbm>> -> memref<80xi32, #tpu.memory_space<hbm>>
        tpu.wait_dma2 semaphore(%run_scoped3A : memref<!tpu.dma_semaphore, #tpu.memory_space<semaphore_mem>>) src(%dma_wait3A_127 : memref<80xi32, #tpu.memory_space<hbm>>) dst(%arg12 : memref<80xi32, #tpu.memory_space<vmem>>)
        tpu.yield
      }) : () -> ()
      "tpu.region"() ({
        %run_scoped3A = tpu.sem_alloc : memref<!tpu.dma_semaphore, #tpu.memory_space<semaphore_mem>>
        %dma_start3A = arith.constant 0 : i32
        %dma_start3A_126 = arith.constant 0 : i32
        %dma_start3A_127 = tpu.memref_slice %arg2[%arg0, %dma_start3A, %dma_start3A_126] : memref<2x320000x64xf32, #tpu.memory_space<hbm>> -> memref<1x320000x64xf32, #tpu.memory_space<hbm>>
        %dma_start3A_128 = tpu.memref_squeeze %dma_start3A_127 : memref<1x320000x64xf32, #tpu.memory_space<hbm>> -> memref<320000x64xf32, #tpu.memory_space<hbm>>
        %dma_start3A_129 = arith.constant 0 : i32
        %dma_start3A_130 = tpu.memref_slice %dma_start3A_128[%add3A_33, %dma_start3A_129] : memref<320000x64xf32, #tpu.memory_space<hbm>> -> memref<80x64xf32, #tpu.memory_space<hbm>>
        %dma_start3A_131 = arith.constant 0 : i32
        %dma_start3A_132 = arith.constant 0 : i32
        %dma_start3A_133 = tpu.memref_slice %arg2[%arg0, %dma_start3A_131, %dma_start3A_132] : memref<2x320000x64xf32, #tpu.memory_space<hbm>> -> memref<1x320000x64xf32, #tpu.memory_space<hbm>>
        %dma_start3A_134 = tpu.memref_squeeze %dma_start3A_133 : memref<1x320000x64xf32, #tpu.memory_space<hbm>> -> memref<320000x64xf32, #tpu.memory_space<hbm>>
        %dma_start3A_135 = arith.constant 0 : i32
        %dma_start3A_136 = tpu.memref_slice %dma_start3A_134[%add3A_33, %dma_start3A_135] : memref<320000x64xf32, #tpu.memory_space<hbm>> -> memref<80x64xf32, #tpu.memory_space<hbm>>
        tpu.enqueue_dma source(%dma_start3A_136 : memref<80x64xf32, #tpu.memory_space<hbm>>) target(%arg13 : memref<80x64xf32, #tpu.memory_space<vmem>>) target_semaphore(%run_scoped3A : memref<!tpu.dma_semaphore, #tpu.memory_space<semaphore_mem>>)
        %dma_wait3A = arith.constant 0 : i32
        %dma_wait3A_137 = arith.constant 0 : i32
        %dma_wait3A_138 = tpu.memref_slice %arg2[%arg0, %dma_wait3A, %dma_wait3A_137] : memref<2x320000x64xf32, #tpu.memory_space<hbm>> -> memref<1x320000x64xf32, #tpu.memory_space<hbm>>
        %dma_wait3A_139 = tpu.memref_squeeze %dma_wait3A_138 : memref<1x320000x64xf32, #tpu.memory_space<hbm>> -> memref<320000x64xf32, #tpu.memory_space<hbm>>
        %dma_wait3A_140 = arith.constant 0 : i32
        %dma_wait3A_141 = tpu.memref_slice %dma_wait3A_139[%add3A_33, %dma_wait3A_140] : memref<320000x64xf32, #tpu.memory_space<hbm>> -> memref<80x64xf32, #tpu.memory_space<hbm>>
        %dma_wait3A_142 = arith.constant 0 : i32
        %dma_wait3A_143 = arith.constant 0 : i32
        %dma_wait3A_144 = tpu.memref_slice %arg2[%arg0, %dma_wait3A_142, %dma_wait3A_143] : memref<2x320000x64xf32, #tpu.memory_space<hbm>> -> memref<1x320000x64xf32, #tpu.memory_space<hbm>>
        %dma_wait3A_145 = tpu.memref_squeeze %dma_wait3A_144 : memref<1x320000x64xf32, #tpu.memory_space<hbm>> -> memref<320000x64xf32, #tpu.memory_space<hbm>>
        %dma_wait3A_146 = arith.constant 0 : i32
        %dma_wait3A_147 = tpu.memref_slice %dma_wait3A_145[%add3A_33, %dma_wait3A_146] : memref<320000x64xf32, #tpu.memory_space<hbm>> -> memref<80x64xf32, #tpu.memory_space<hbm>>
        tpu.wait_dma2 semaphore(%run_scoped3A : memref<!tpu.dma_semaphore, #tpu.memory_space<semaphore_mem>>) src(%dma_wait3A_147 : memref<80x64xf32, #tpu.memory_space<hbm>>) dst(%arg13 : memref<80x64xf32, #tpu.memory_space<vmem>>)
        tpu.yield
      }) : () -> ()
      "tpu.region"() ({
        %run_scoped3A = tpu.sem_alloc : memref<!tpu.dma_semaphore, #tpu.memory_space<semaphore_mem>>
        %dma_start3A = arith.constant 0 : i32
        %dma_start3A_126 = arith.constant 0 : i32
        %dma_start3A_127 = tpu.memref_slice %arg3[%arg0, %dma_start3A, %dma_start3A_126] : memref<2x10000x128xf32, #tpu.memory_space<hbm>> -> memref<1x10000x128xf32, #tpu.memory_space<hbm>>
        %dma_start3A_128 = tpu.memref_squeeze %dma_start3A_127 : memref<1x10000x128xf32, #tpu.memory_space<hbm>> -> memref<10000x128xf32, #tpu.memory_space<hbm>>
        %dma_start3A_129 = arith.constant 0 : i32
        %dma_start3A_130 = arith.constant 0 : i32
        %dma_start3A_131 = tpu.memref_slice %dma_start3A_128[%dma_start3A_129, %dma_start3A_130] : memref<10000x128xf32, #tpu.memory_space<hbm>> -> memref<10000x128xf32, #tpu.memory_space<hbm>>
        tpu.enqueue_indirect_dma source(%dma_start3A_131 : memref<10000x128xf32, #tpu.memory_space<hbm>>) target(%arg14 : memref<80x128xf32, #tpu.memory_space<vmem>>) offsets(%arg11 : memref<80xi32, #tpu.memory_space<vmem>>) semaphore(%run_scoped3A : memref<!tpu.dma_semaphore, #tpu.memory_space<semaphore_mem>>)
        %dma_wait3A = arith.constant 0 : i32
        %dma_wait3A_132 = arith.constant 0 : i32
        %dma_wait3A_133 = tpu.memref_slice %arg3[%arg0, %dma_wait3A, %dma_wait3A_132] : memref<2x10000x128xf32, #tpu.memory_space<hbm>> -> memref<1x10000x128xf32, #tpu.memory_space<hbm>>
        %dma_wait3A_134 = tpu.memref_squeeze %dma_wait3A_133 : memref<1x10000x128xf32, #tpu.memory_space<hbm>> -> memref<10000x128xf32, #tpu.memory_space<hbm>>
        %dma_wait3A_135 = arith.constant 0 : i32
        %dma_wait3A_136 = arith.constant 0 : i32
        %dma_wait3A_137 = tpu.memref_slice %dma_wait3A_134[%dma_wait3A_135, %dma_wait3A_136] : memref<10000x128xf32, #tpu.memory_space<hbm>> -> memref<10000x128xf32, #tpu.memory_space<hbm>>
        tpu.wait_indirect_dma semaphore(%run_scoped3A : memref<!tpu.dma_semaphore, #tpu.memory_space<semaphore_mem>>) src(%dma_wait3A_137 : memref<10000x128xf32, #tpu.memory_space<hbm>>) dst(%arg14 : memref<80x128xf32, #tpu.memory_space<vmem>>)
        tpu.yield
      }) : () -> ()
      "tpu.region"() ({
        %run_scoped3A = tpu.sem_alloc : memref<!tpu.dma_semaphore, #tpu.memory_space<semaphore_mem>>
        %dma_start3A = arith.constant 0 : i32
        %dma_start3A_126 = arith.constant 0 : i32
        %dma_start3A_127 = tpu.memref_slice %arg4[%dma_start3A, %dma_start3A_126] : memref<10000x128xf32, #tpu.memory_space<hbm>> -> memref<10000x128xf32, #tpu.memory_space<hbm>>
        tpu.enqueue_indirect_dma source(%dma_start3A_127 : memref<10000x128xf32, #tpu.memory_space<hbm>>) target(%arg15 : memref<80x128xf32, #tpu.memory_space<vmem>>) offsets(%arg12 : memref<80xi32, #tpu.memory_space<vmem>>) semaphore(%run_scoped3A : memref<!tpu.dma_semaphore, #tpu.memory_space<semaphore_mem>>)
        %dma_wait3A = arith.constant 0 : i32
        %dma_wait3A_128 = arith.constant 0 : i32
        %dma_wait3A_129 = tpu.memref_slice %arg4[%dma_wait3A, %dma_wait3A_128] : memref<10000x128xf32, #tpu.memory_space<hbm>> -> memref<10000x128xf32, #tpu.memory_space<hbm>>
        tpu.wait_indirect_dma semaphore(%run_scoped3A : memref<!tpu.dma_semaphore, #tpu.memory_space<semaphore_mem>>) src(%dma_wait3A_129 : memref<10000x128xf32, #tpu.memory_space<hbm>>) dst(%arg15 : memref<80x128xf32, #tpu.memory_space<vmem>>)
        tpu.yield
      }) : () -> ()
      %get3A = arith.constant 0 : i32
      %get3A_34 = arith.index_cast %get3A : i32 to index
      %get3A_35 = arith.constant 0 : index
      %get3A_36 = tpu.vector_load %arg17[%get3A_34, %get3A_35] {strides = array<i32>} : memref<16x64xf32, #tpu.memory_space<vmem>>, vector<1x16xf32>,
      %get3A_37 = vector.shape_cast %get3A_36 : vector<1x16xf32> to vector<16xf32>
      %get3A_38 = arith.constant 0 : i32
      %get3A_39 = arith.index_cast %get3A_38 : i32 to index
      %get3A_40 = arith.constant 16 : index
      %get3A_41 = tpu.vector_load %arg17[%get3A_39, %get3A_40] {strides = array<i32>} : memref<16x64xf32, #tpu.memory_space<vmem>>, vector<1x16xf32>,
      %get3A_42 = vector.shape_cast %get3A_41 : vector<1x16xf32> to vector<16xf32>
      %get3A_43 = arith.constant 0 : i32
      %get3A_44 = arith.index_cast %get3A_43 : i32 to index
      %get3A_45 = arith.constant 32 : index
      %get3A_46 = tpu.vector_load %arg17[%get3A_44, %get3A_45] {strides = array<i32>} : memref<16x64xf32, #tpu.memory_space<vmem>>, vector<1x16xf32>,
      %get3A_47 = vector.shape_cast %get3A_46 : vector<1x16xf32> to vector<16xf32>
      %get3A_48 = arith.constant 0 : i32
      %get3A_49 = arith.index_cast %get3A_48 : i32 to index
      %get3A_50 = arith.constant 48 : index
      %get3A_51 = tpu.vector_load %arg17[%get3A_49, %get3A_50] {strides = array<i32>} : memref<16x64xf32, #tpu.memory_space<vmem>>, vector<1x16xf32>,
      %get3A_52 = vector.shape_cast %get3A_51 : vector<1x16xf32> to vector<16xf32>
      %get3A_53 = arith.constant 8 : i32
      %get3A_54 = arith.index_cast %get3A_53 : i32 to index
      %get3A_55 = arith.constant 0 : index
      %get3A_56 = tpu.vector_load %arg17[%get3A_54, %get3A_55] {strides = array<i32>} : memref<16x64xf32, #tpu.memory_space<vmem>>, vector<1x16xf32>,
      %get3A_57 = vector.shape_cast %get3A_56 : vector<1x16xf32> to vector<16xf32>
      %get3A_58 = arith.constant 8 : i32
      %get3A_59 = arith.index_cast %get3A_58 : i32 to index
      %get3A_60 = arith.constant 16 : index
      %get3A_61 = tpu.vector_load %arg17[%get3A_59, %get3A_60] {strides = array<i32>} : memref<16x64xf32, #tpu.memory_space<vmem>>, vector<1x16xf32>,
      %get3A_62 = vector.shape_cast %get3A_61 : vector<1x16xf32> to vector<16xf32>
      %get3A_63 = arith.constant 8 : i32
      %get3A_64 = arith.index_cast %get3A_63 : i32 to index
      %get3A_65 = arith.constant 32 : index
      %get3A_66 = tpu.vector_load %arg17[%get3A_64, %get3A_65] {strides = array<i32>} : memref<16x64xf32, #tpu.memory_space<vmem>>, vector<1x16xf32>,
      %get3A_67 = vector.shape_cast %get3A_66 : vector<1x16xf32> to vector<16xf32>
      %get3A_68 = arith.constant 8 : i32
      %get3A_69 = arith.index_cast %get3A_68 : i32 to index
      %get3A_70 = arith.constant 48 : index
      %get3A_71 = tpu.vector_load %arg17[%get3A_69, %get3A_70] {strides = array<i32>} : memref<16x64xf32, #tpu.memory_space<vmem>>, vector<1x16xf32>,
      %get3A_72 = vector.shape_cast %get3A_71 : vector<1x16xf32> to vector<16xf32>
      %scan3A_73 = arith.constant 0 : i32
      %scan3A_74 = arith.constant 80 : i32
      %scan3A_75 = arith.addi %scan3A_73, %scan3A_74 : i32
      %scan3A_76 = arith.constant 1 : i32
      %scan3A_77:8 = scf.for %scan3A_126 = %scan3A_73 to %scan3A_75 step %scan3A_76 iter_args(%scan3A_127 = %get3A_37, %scan3A_128 = %get3A_42, %scan3A_129 = %get3A_47, %scan3A_130 = %get3A_52, %scan3A_131 = %get3A_57, %scan3A_132 = %get3A_62, %scan3A_133 = %get3A_67, %scan3A_134 = %get3A_72) -> (vector<16xf32>, vector<16xf32>, vector<16xf32>, vector<16xf32>, vector<16xf32>, vector<16xf32>, vector<16xf32>, vector<16xf32>)  : i32 {
        %get3A_135 = arith.index_cast %scan3A_126 : i32 to index
        %get3A_136 = arith.constant 0 : index
        %get3A_137 = tpu.vector_load %arg13[%get3A_135, %get3A_136] {strides = array<i32>} : memref<80x64xf32, #tpu.memory_space<vmem>>, vector<1x16xf32>,
        %get3A_138 = vector.shape_cast %get3A_137 : vector<1x16xf32> to vector<16xf32>
        %get3A_139 = arith.index_cast %scan3A_126 : i32 to index
        %get3A_140 = arith.constant 0 : index
        %get3A_141 = tpu.vector_load %arg14[%get3A_139, %get3A_140] {strides = array<i32>} : memref<80x128xf32, #tpu.memory_space<vmem>>, vector<1x16xf32>,
        %get3A_142 = vector.shape_cast %get3A_141 : vector<1x16xf32> to vector<16xf32>
        %add3A_143 = arith.addf %get3A_138, %get3A_142 : vector<16xf32>
        %mul3A_144 = arith.constant 64 : i32
        %mul3A_145 = arith.muli %arg0, %mul3A_144 : i32
        %add3A_146 = arith.constant 0 : i32
        %add3A_147 = arith.addi %mul3A_145, %add3A_146 : i32
        %get3A_148 = arith.index_cast %scan3A_126 : i32 to index
        %get3A_149 = arith.index_cast %add3A_147 : i32 to index
        %get3A_150 = tpu.vector_load %arg15[%get3A_148, %get3A_149] {strides = array<i32>} : memref<80x128xf32, #tpu.memory_space<vmem>>, vector<1x16xf32>,
        %get3A_151 = vector.shape_cast %get3A_150 : vector<1x16xf32> to vector<16xf32>
        %add3A_152 = arith.addf %add3A_143, %get3A_151 : vector<16xf32>
        %swap3A_153 = arith.index_cast %scan3A_126 : i32 to index
        %swap3A_154 = arith.constant 0 : index
        %swap3A_155 = tpu.vector_load %arg13[%swap3A_153, %swap3A_154] {strides = array<i32>} : memref<80x64xf32, #tpu.memory_space<vmem>>, vector<1x16xf32>,
        %swap3A_156 = vector.shape_cast %swap3A_155 : vector<1x16xf32> to vector<16xf32>
        %swap3A_157 = vector.shape_cast %add3A_152 : vector<16xf32> to vector<1x16xf32>
        tpu.vector_store %arg13[%swap3A_153, %swap3A_154], %swap3A_157 {strides = array<i32>} : memref<80x64xf32, #tpu.memory_space<vmem>>, vector<1x16xf32>,
        %neg3A = arith.constant 0.000000e+00 : f32
        %neg3A_158 = vector.broadcast %neg3A : f32 to vector<16xf32>
        %neg3A_159 = arith.subf %neg3A_158, %add3A_152 : vector<16xf32>
        %exp3A = math.exp %neg3A_159 : vector<16xf32>
        %add3A_160 = arith.constant 1.000000e+00 : f32
        %add3A_161 = vector.broadcast %add3A_160 : f32 to vector<16xf32>
        %add3A_162 = arith.addf %add3A_161, %exp3A : vector<16xf32>
        %div3A = arith.constant 1.000000e+00 : f32
        %div3A_163 = vector.broadcast %div3A : f32 to vector<16xf32>
        %div3A_164 = arith.divf %div3A_163, %add3A_162 : vector<16xf32>
        %swap3A_165 = arith.index_cast %scan3A_126 : i32 to index
        %swap3A_166 = arith.constant 64 : index
        %swap3A_167 = tpu.vector_load %arg16[%swap3A_165, %swap3A_166] {strides = array<i32>} : memref<80x128xf32, #tpu.memory_space<vmem>>, vector<1x16xf32>,
        %swap3A_168 = vector.shape_cast %swap3A_167 : vector<1x16xf32> to vector<16xf32>
        %swap3A_169 = vector.shape_cast %div3A_164 : vector<16xf32> to vector<1x16xf32>
        tpu.vector_store %arg16[%swap3A_165, %swap3A_166], %swap3A_169 {strides = array<i32>} : memref<80x128xf32, #tpu.memory_space<vmem>>, vector<1x16xf32>,
        %get3A_170 = arith.index_cast %scan3A_126 : i32 to index
        %get3A_171 = arith.constant 64 : index
        %get3A_172 = tpu.vector_load %arg14[%get3A_170, %get3A_171] {strides = array<i32>} : memref<80x128xf32, #tpu.memory_space<vmem>>, vector<1x16xf32>,
        %get3A_173 = vector.shape_cast %get3A_172 : vector<1x16xf32> to vector<16xf32>
        %mul3A_174 = arith.mulf %div3A_164, %get3A_173 : vector<16xf32>
        %swap3A_175 = arith.index_cast %scan3A_126 : i32 to index
        %swap3A_176 = arith.constant 0 : index
        %swap3A_177 = tpu.vector_load %arg16[%swap3A_175, %swap3A_176] {strides = array<i32>} : memref<80x128xf32, #tpu.memory_space<vmem>>, vector<1x16xf32>,
        %swap3A_178 = vector.shape_cast %swap3A_177 : vector<1x16xf32> to vector<16xf32>
        %swap3A_179 = vector.shape_cast %mul3A_174 : vector<16xf32> to vector<1x16xf32>
        tpu.vector_store %arg16[%swap3A_175, %swap3A_176], %swap3A_179 {strides = array<i32>} : memref<80x128xf32, #tpu.memory_space<vmem>>, vector<1x16xf32>,
        %add3A_180 = arith.addf %scan3A_127, %add3A_152 : vector<16xf32>
        %mul3A_181 = arith.mulf %add3A_152, %add3A_152 : vector<16xf32>
        %add3A_182 = arith.addf %scan3A_131, %mul3A_181 : vector<16xf32>
        %get3A_183 = arith.index_cast %scan3A_126 : i32 to index
        %get3A_184 = arith.constant 16 : index
        %get3A_185 = tpu.vector_load %arg13[%get3A_183, %get3A_184] {strides = array<i32>} : memref<80x64xf32, #tpu.memory_space<vmem>>, vector<1x16xf32>,
        %get3A_186 = vector.shape_cast %get3A_185 : vector<1x16xf32> to vector<16xf32>
        %get3A_187 = arith.index_cast %scan3A_126 : i32 to index
        %get3A_188 = arith.constant 16 : index
        %get3A_189 = tpu.vector_load %arg14[%get3A_187, %get3A_188] {strides = array<i32>} : memref<80x128xf32, #tpu.memory_space<vmem>>, vector<1x16xf32>,
        %get3A_190 = vector.shape_cast %get3A_189 : vector<1x16xf32> to vector<16xf32>
        %add3A_191 = arith.addf %get3A_186, %get3A_190 : vector<16xf32>
        %mul3A_192 = arith.constant 64 : i32
        %mul3A_193 = arith.muli %arg0, %mul3A_192 : i32
        %add3A_194 = arith.constant 16 : i32
        %add3A_195 = arith.addi %mul3A_193, %add3A_194 : i32
        %get3A_196 = arith.index_cast %scan3A_126 : i32 to index
        %get3A_197 = arith.index_cast %add3A_195 : i32 to index
        %get3A_198 = tpu.vector_load %arg15[%get3A_196, %get3A_197] {strides = array<i32>} : memref<80x128xf32, #tpu.memory_space<vmem>>, vector<1x16xf32>,
        %get3A_199 = vector.shape_cast %get3A_198 : vector<1x16xf32> to vector<16xf32>
        %add3A_200 = arith.addf %add3A_191, %get3A_199 : vector<16xf32>
        %swap3A_201 = arith.index_cast %scan3A_126 : i32 to index
        %swap3A_202 = arith.constant 16 : index
        %swap3A_203 = tpu.vector_load %arg13[%swap3A_201, %swap3A_202] {strides = array<i32>} : memref<80x64xf32, #tpu.memory_space<vmem>>, vector<1x16xf32>,
        %swap3A_204 = vector.shape_cast %swap3A_203 : vector<1x16xf32> to vector<16xf32>
        %swap3A_205 = vector.shape_cast %add3A_200 : vector<16xf32> to vector<1x16xf32>
        tpu.vector_store %arg13[%swap3A_201, %swap3A_202], %swap3A_205 {strides = array<i32>} : memref<80x64xf32, #tpu.memory_space<vmem>>, vector<1x16xf32>,
        %neg3A_206 = arith.constant 0.000000e+00 : f32
        %neg3A_207 = vector.broadcast %neg3A_206 : f32 to vector<16xf32>
        %neg3A_208 = arith.subf %neg3A_207, %add3A_200 : vector<16xf32>
        %exp3A_209 = math.exp %neg3A_208 : vector<16xf32>
        %add3A_210 = arith.constant 1.000000e+00 : f32
        %add3A_211 = vector.broadcast %add3A_210 : f32 to vector<16xf32>
        %add3A_212 = arith.addf %add3A_211, %exp3A_209 : vector<16xf32>
        %div3A_213 = arith.constant 1.000000e+00 : f32
        %div3A_214 = vector.broadcast %div3A_213 : f32 to vector<16xf32>
        %div3A_215 = arith.divf %div3A_214, %add3A_212 : vector<16xf32>
        %swap3A_216 = arith.index_cast %scan3A_126 : i32 to index
        %swap3A_217 = arith.constant 80 : index
        %swap3A_218 = tpu.vector_load %arg16[%swap3A_216, %swap3A_217] {strides = array<i32>} : memref<80x128xf32, #tpu.memory_space<vmem>>, vector<1x16xf32>,
        %swap3A_219 = vector.shape_cast %swap3A_218 : vector<1x16xf32> to vector<16xf32>
        %swap3A_220 = vector.shape_cast %div3A_215 : vector<16xf32> to vector<1x16xf32>
        tpu.vector_store %arg16[%swap3A_216, %swap3A_217], %swap3A_220 {strides = array<i32>} : memref<80x128xf32, #tpu.memory_space<vmem>>, vector<1x16xf32>,
        %get3A_221 = arith.index_cast %scan3A_126 : i32 to index
        %get3A_222 = arith.constant 80 : index
        %get3A_223 = tpu.vector_load %arg14[%get3A_221, %get3A_222] {strides = array<i32>} : memref<80x128xf32, #tpu.memory_space<vmem>>, vector<1x16xf32>,
        %get3A_224 = vector.shape_cast %get3A_223 : vector<1x16xf32> to vector<16xf32>
        %mul3A_225 = arith.mulf %div3A_215, %get3A_224 : vector<16xf32>
        %swap3A_226 = arith.index_cast %scan3A_126 : i32 to index
        %swap3A_227 = arith.constant 16 : index
        %swap3A_228 = tpu.vector_load %arg16[%swap3A_226, %swap3A_227] {strides = array<i32>} : memref<80x128xf32, #tpu.memory_space<vmem>>, vector<1x16xf32>,
        %swap3A_229 = vector.shape_cast %swap3A_228 : vector<1x16xf32> to vector<16xf32>
        %swap3A_230 = vector.shape_cast %mul3A_225 : vector<16xf32> to vector<1x16xf32>
        tpu.vector_store %arg16[%swap3A_226, %swap3A_227], %swap3A_230 {strides = array<i32>} : memref<80x128xf32, #tpu.memory_space<vmem>>, vector<1x16xf32>,
        %add3A_231 = arith.addf %scan3A_128, %add3A_200 : vector<16xf32>
        %mul3A_232 = arith.mulf %add3A_200, %add3A_200 : vector<16xf32>
        %add3A_233 = arith.addf %scan3A_132, %mul3A_232 : vector<16xf32>
        %get3A_234 = arith.index_cast %scan3A_126 : i32 to index
        %get3A_235 = arith.constant 32 : index
        %get3A_236 = tpu.vector_load %arg13[%get3A_234, %get3A_235] {strides = array<i32>} : memref<80x64xf32, #tpu.memory_space<vmem>>, vector<1x16xf32>,
        %get3A_237 = vector.shape_cast %get3A_236 : vector<1x16xf32> to vector<16xf32>
        %get3A_238 = arith.index_cast %scan3A_126 : i32 to index
        %get3A_239 = arith.constant 32 : index
        %get3A_240 = tpu.vector_load %arg14[%get3A_238, %get3A_239] {strides = array<i32>} : memref<80x128xf32, #tpu.memory_space<vmem>>, vector<1x16xf32>,
        %get3A_241 = vector.shape_cast %get3A_240 : vector<1x16xf32> to vector<16xf32>
        %add3A_242 = arith.addf %get3A_237, %get3A_241 : vector<16xf32>
        %mul3A_243 = arith.constant 64 : i32
        %mul3A_244 = arith.muli %arg0, %mul3A_243 : i32
        %add3A_245 = arith.constant 32 : i32
        %add3A_246 = arith.addi %mul3A_244, %add3A_245 : i32
        %get3A_247 = arith.index_cast %scan3A_126 : i32 to index
        %get3A_248 = arith.index_cast %add3A_246 : i32 to index
        %get3A_249 = tpu.vector_load %arg15[%get3A_247, %get3A_248] {strides = array<i32>} : memref<80x128xf32, #tpu.memory_space<vmem>>, vector<1x16xf32>,
        %get3A_250 = vector.shape_cast %get3A_249 : vector<1x16xf32> to vector<16xf32>
        %add3A_251 = arith.addf %add3A_242, %get3A_250 : vector<16xf32>
        %swap3A_252 = arith.index_cast %scan3A_126 : i32 to index
        %swap3A_253 = arith.constant 32 : index
        %swap3A_254 = tpu.vector_load %arg13[%swap3A_252, %swap3A_253] {strides = array<i32>} : memref<80x64xf32, #tpu.memory_space<vmem>>, vector<1x16xf32>,
        %swap3A_255 = vector.shape_cast %swap3A_254 : vector<1x16xf32> to vector<16xf32>
        %swap3A_256 = vector.shape_cast %add3A_251 : vector<16xf32> to vector<1x16xf32>
        tpu.vector_store %arg13[%swap3A_252, %swap3A_253], %swap3A_256 {strides = array<i32>} : memref<80x64xf32, #tpu.memory_space<vmem>>, vector<1x16xf32>,
        %neg3A_257 = arith.constant 0.000000e+00 : f32
        %neg3A_258 = vector.broadcast %neg3A_257 : f32 to vector<16xf32>
        %neg3A_259 = arith.subf %neg3A_258, %add3A_251 : vector<16xf32>
        %exp3A_260 = math.exp %neg3A_259 : vector<16xf32>
        %add3A_261 = arith.constant 1.000000e+00 : f32
        %add3A_262 = vector.broadcast %add3A_261 : f32 to vector<16xf32>
        %add3A_263 = arith.addf %add3A_262, %exp3A_260 : vector<16xf32>
        %div3A_264 = arith.constant 1.000000e+00 : f32
        %div3A_265 = vector.broadcast %div3A_264 : f32 to vector<16xf32>
        %div3A_266 = arith.divf %div3A_265, %add3A_263 : vector<16xf32>
        %swap3A_267 = arith.index_cast %scan3A_126 : i32 to index
        %swap3A_268 = arith.constant 96 : index
        %swap3A_269 = tpu.vector_load %arg16[%swap3A_267, %swap3A_268] {strides = array<i32>} : memref<80x128xf32, #tpu.memory_space<vmem>>, vector<1x16xf32>,
        %swap3A_270 = vector.shape_cast %swap3A_269 : vector<1x16xf32> to vector<16xf32>
        %swap3A_271 = vector.shape_cast %div3A_266 : vector<16xf32> to vector<1x16xf32>
        tpu.vector_store %arg16[%swap3A_267, %swap3A_268], %swap3A_271 {strides = array<i32>} : memref<80x128xf32, #tpu.memory_space<vmem>>, vector<1x16xf32>,
        %get3A_272 = arith.index_cast %scan3A_126 : i32 to index
        %get3A_273 = arith.constant 96 : index
        %get3A_274 = tpu.vector_load %arg14[%get3A_272, %get3A_273] {strides = array<i32>} : memref<80x128xf32, #tpu.memory_space<vmem>>, vector<1x16xf32>,
        %get3A_275 = vector.shape_cast %get3A_274 : vector<1x16xf32> to vector<16xf32>
        %mul3A_276 = arith.mulf %div3A_266, %get3A_275 : vector<16xf32>
        %swap3A_277 = arith.index_cast %scan3A_126 : i32 to index
        %swap3A_278 = arith.constant 32 : index
        %swap3A_279 = tpu.vector_load %arg16[%swap3A_277, %swap3A_278] {strides = array<i32>} : memref<80x128xf32, #tpu.memory_space<vmem>>, vector<1x16xf32>,
        %swap3A_280 = vector.shape_cast %swap3A_279 : vector<1x16xf32> to vector<16xf32>
        %swap3A_281 = vector.shape_cast %mul3A_276 : vector<16xf32> to vector<1x16xf32>
        tpu.vector_store %arg16[%swap3A_277, %swap3A_278], %swap3A_281 {strides = array<i32>} : memref<80x128xf32, #tpu.memory_space<vmem>>, vector<1x16xf32>,
        %add3A_282 = arith.addf %scan3A_129, %add3A_251 : vector<16xf32>
        %mul3A_283 = arith.mulf %add3A_251, %add3A_251 : vector<16xf32>
        %add3A_284 = arith.addf %scan3A_133, %mul3A_283 : vector<16xf32>
        %get3A_285 = arith.index_cast %scan3A_126 : i32 to index
        %get3A_286 = arith.constant 48 : index
        %get3A_287 = tpu.vector_load %arg13[%get3A_285, %get3A_286] {strides = array<i32>} : memref<80x64xf32, #tpu.memory_space<vmem>>, vector<1x16xf32>,
        %get3A_288 = vector.shape_cast %get3A_287 : vector<1x16xf32> to vector<16xf32>
        %get3A_289 = arith.index_cast %scan3A_126 : i32 to index
        %get3A_290 = arith.constant 48 : index
        %get3A_291 = tpu.vector_load %arg14[%get3A_289, %get3A_290] {strides = array<i32>} : memref<80x128xf32, #tpu.memory_space<vmem>>, vector<1x16xf32>,
        %get3A_292 = vector.shape_cast %get3A_291 : vector<1x16xf32> to vector<16xf32>
        %add3A_293 = arith.addf %get3A_288, %get3A_292 : vector<16xf32>
        %mul3A_294 = arith.constant 64 : i32
        %mul3A_295 = arith.muli %arg0, %mul3A_294 : i32
        %add3A_296 = arith.constant 48 : i32
        %add3A_297 = arith.addi %mul3A_295, %add3A_296 : i32
        %get3A_298 = arith.index_cast %scan3A_126 : i32 to index
        %get3A_299 = arith.index_cast %add3A_297 : i32 to index
        %get3A_300 = tpu.vector_load %arg15[%get3A_298, %get3A_299] {strides = array<i32>} : memref<80x128xf32, #tpu.memory_space<vmem>>, vector<1x16xf32>,
        %get3A_301 = vector.shape_cast %get3A_300 : vector<1x16xf32> to vector<16xf32>
        %add3A_302 = arith.addf %add3A_293, %get3A_301 : vector<16xf32>
        %swap3A_303 = arith.index_cast %scan3A_126 : i32 to index
        %swap3A_304 = arith.constant 48 : index
        %swap3A_305 = tpu.vector_load %arg13[%swap3A_303, %swap3A_304] {strides = array<i32>} : memref<80x64xf32, #tpu.memory_space<vmem>>, vector<1x16xf32>,
        %swap3A_306 = vector.shape_cast %swap3A_305 : vector<1x16xf32> to vector<16xf32>
        %swap3A_307 = vector.shape_cast %add3A_302 : vector<16xf32> to vector<1x16xf32>
        tpu.vector_store %arg13[%swap3A_303, %swap3A_304], %swap3A_307 {strides = array<i32>} : memref<80x64xf32, #tpu.memory_space<vmem>>, vector<1x16xf32>,
        %neg3A_308 = arith.constant 0.000000e+00 : f32
        %neg3A_309 = vector.broadcast %neg3A_308 : f32 to vector<16xf32>
        %neg3A_310 = arith.subf %neg3A_309, %add3A_302 : vector<16xf32>
        %exp3A_311 = math.exp %neg3A_310 : vector<16xf32>
        %add3A_312 = arith.constant 1.000000e+00 : f32
        %add3A_313 = vector.broadcast %add3A_312 : f32 to vector<16xf32>
        %add3A_314 = arith.addf %add3A_313, %exp3A_311 : vector<16xf32>
        %div3A_315 = arith.constant 1.000000e+00 : f32
        %div3A_316 = vector.broadcast %div3A_315 : f32 to vector<16xf32>
        %div3A_317 = arith.divf %div3A_316, %add3A_314 : vector<16xf32>
        %swap3A_318 = arith.index_cast %scan3A_126 : i32 to index
        %swap3A_319 = arith.constant 112 : index
        %swap3A_320 = tpu.vector_load %arg16[%swap3A_318, %swap3A_319] {strides = array<i32>} : memref<80x128xf32, #tpu.memory_space<vmem>>, vector<1x16xf32>,
        %swap3A_321 = vector.shape_cast %swap3A_320 : vector<1x16xf32> to vector<16xf32>
        %swap3A_322 = vector.shape_cast %div3A_317 : vector<16xf32> to vector<1x16xf32>
        tpu.vector_store %arg16[%swap3A_318, %swap3A_319], %swap3A_322 {strides = array<i32>} : memref<80x128xf32, #tpu.memory_space<vmem>>, vector<1x16xf32>,
        %get3A_323 = arith.index_cast %scan3A_126 : i32 to index
        %get3A_324 = arith.constant 112 : index
        %get3A_325 = tpu.vector_load %arg14[%get3A_323, %get3A_324] {strides = array<i32>} : memref<80x128xf32, #tpu.memory_space<vmem>>, vector<1x16xf32>,
        %get3A_326 = vector.shape_cast %get3A_325 : vector<1x16xf32> to vector<16xf32>
        %mul3A_327 = arith.mulf %div3A_317, %get3A_326 : vector<16xf32>
        %swap3A_328 = arith.index_cast %scan3A_126 : i32 to index
        %swap3A_329 = arith.constant 48 : index
        %swap3A_330 = tpu.vector_load %arg16[%swap3A_328, %swap3A_329] {strides = array<i32>} : memref<80x128xf32, #tpu.memory_space<vmem>>, vector<1x16xf32>,
        %swap3A_331 = vector.shape_cast %swap3A_330 : vector<1x16xf32> to vector<16xf32>
        %swap3A_332 = vector.shape_cast %mul3A_327 : vector<16xf32> to vector<1x16xf32>
        tpu.vector_store %arg16[%swap3A_328, %swap3A_329], %swap3A_332 {strides = array<i32>} : memref<80x128xf32, #tpu.memory_space<vmem>>, vector<1x16xf32>,
        %add3A_333 = arith.addf %scan3A_130, %add3A_302 : vector<16xf32>
        %mul3A_334 = arith.mulf %add3A_302, %add3A_302 : vector<16xf32>
        %add3A_335 = arith.addf %scan3A_134, %mul3A_334 : vector<16xf32>
        scf.yield %add3A_180, %add3A_231, %add3A_282, %add3A_333, %add3A_182, %add3A_233, %add3A_284, %add3A_335 : vector<16xf32>, vector<16xf32>, vector<16xf32>, vector<16xf32>, vector<16xf32>, vector<16xf32>, vector<16xf32>, vector<16xf32>
      }
      %scan3A_78 = arith.constant 80 : i32
      %swap3A = arith.constant 0 : i32
      %swap3A_79 = arith.index_cast %swap3A : i32 to index
      %swap3A_80 = arith.constant 0 : index
      %swap3A_81 = tpu.vector_load %arg17[%swap3A_79, %swap3A_80] {strides = array<i32>} : memref<16x64xf32, #tpu.memory_space<vmem>>, vector<1x16xf32>,
      %swap3A_82 = vector.shape_cast %swap3A_81 : vector<1x16xf32> to vector<16xf32>
      %swap3A_83 = vector.shape_cast %scan3A_77#0 : vector<16xf32> to vector<1x16xf32>
      tpu.vector_store %arg17[%swap3A_79, %swap3A_80], %swap3A_83 {strides = array<i32>} : memref<16x64xf32, #tpu.memory_space<vmem>>, vector<1x16xf32>,
      %swap3A_84 = arith.constant 8 : i32
      %swap3A_85 = arith.index_cast %swap3A_84 : i32 to index
      %swap3A_86 = arith.constant 0 : index
      %swap3A_87 = tpu.vector_load %arg17[%swap3A_85, %swap3A_86] {strides = array<i32>} : memref<16x64xf32, #tpu.memory_space<vmem>>, vector<1x16xf32>,
      %swap3A_88 = vector.shape_cast %swap3A_87 : vector<1x16xf32> to vector<16xf32>
      %swap3A_89 = vector.shape_cast %scan3A_77#4 : vector<16xf32> to vector<1x16xf32>
      tpu.vector_store %arg17[%swap3A_85, %swap3A_86], %swap3A_89 {strides = array<i32>} : memref<16x64xf32, #tpu.memory_space<vmem>>, vector<1x16xf32>,
      %swap3A_90 = arith.constant 0 : i32
      %swap3A_91 = arith.index_cast %swap3A_90 : i32 to index
      %swap3A_92 = arith.constant 16 : index
      %swap3A_93 = tpu.vector_load %arg17[%swap3A_91, %swap3A_92] {strides = array<i32>} : memref<16x64xf32, #tpu.memory_space<vmem>>, vector<1x16xf32>,
      %swap3A_94 = vector.shape_cast %swap3A_93 : vector<1x16xf32> to vector<16xf32>
      %swap3A_95 = vector.shape_cast %scan3A_77#1 : vector<16xf32> to vector<1x16xf32>
      tpu.vector_store %arg17[%swap3A_91, %swap3A_92], %swap3A_95 {strides = array<i32>} : memref<16x64xf32, #tpu.memory_space<vmem>>, vector<1x16xf32>,
      %swap3A_96 = arith.constant 8 : i32
      %swap3A_97 = arith.index_cast %swap3A_96 : i32 to index
      %swap3A_98 = arith.constant 16 : index
      %swap3A_99 = tpu.vector_load %arg17[%swap3A_97, %swap3A_98] {strides = array<i32>} : memref<16x64xf32, #tpu.memory_space<vmem>>, vector<1x16xf32>,
      %swap3A_100 = vector.shape_cast %swap3A_99 : vector<1x16xf32> to vector<16xf32>
      %swap3A_101 = vector.shape_cast %scan3A_77#5 : vector<16xf32> to vector<1x16xf32>
      tpu.vector_store %arg17[%swap3A_97, %swap3A_98], %swap3A_101 {strides = array<i32>} : memref<16x64xf32, #tpu.memory_space<vmem>>, vector<1x16xf32>,
      %swap3A_102 = arith.constant 0 : i32
      %swap3A_103 = arith.index_cast %swap3A_102 : i32 to index
      %swap3A_104 = arith.constant 32 : index
      %swap3A_105 = tpu.vector_load %arg17[%swap3A_103, %swap3A_104] {strides = array<i32>} : memref<16x64xf32, #tpu.memory_space<vmem>>, vector<1x16xf32>,
      %swap3A_106 = vector.shape_cast %swap3A_105 : vector<1x16xf32> to vector<16xf32>
      %swap3A_107 = vector.shape_cast %scan3A_77#2 : vector<16xf32> to vector<1x16xf32>
      tpu.vector_store %arg17[%swap3A_103, %swap3A_104], %swap3A_107 {strides = array<i32>} : memref<16x64xf32, #tpu.memory_space<vmem>>, vector<1x16xf32>,
      %swap3A_108 = arith.constant 8 : i32
      %swap3A_109 = arith.index_cast %swap3A_108 : i32 to index
      %swap3A_110 = arith.constant 32 : index
      %swap3A_111 = tpu.vector_load %arg17[%swap3A_109, %swap3A_110] {strides = array<i32>} : memref<16x64xf32, #tpu.memory_space<vmem>>, vector<1x16xf32>,
      %swap3A_112 = vector.shape_cast %swap3A_111 : vector<1x16xf32> to vector<16xf32>
      %swap3A_113 = vector.shape_cast %scan3A_77#6 : vector<16xf32> to vector<1x16xf32>
      tpu.vector_store %arg17[%swap3A_109, %swap3A_110], %swap3A_113 {strides = array<i32>} : memref<16x64xf32, #tpu.memory_space<vmem>>, vector<1x16xf32>,
      %swap3A_114 = arith.constant 0 : i32
      %swap3A_115 = arith.index_cast %swap3A_114 : i32 to index
      %swap3A_116 = arith.constant 48 : index
      %swap3A_117 = tpu.vector_load %arg17[%swap3A_115, %swap3A_116] {strides = array<i32>} : memref<16x64xf32, #tpu.memory_space<vmem>>, vector<1x16xf32>,
      %swap3A_118 = vector.shape_cast %swap3A_117 : vector<1x16xf32> to vector<16xf32>
      %swap3A_119 = vector.shape_cast %scan3A_77#3 : vector<16xf32> to vector<1x16xf32>
      tpu.vector_store %arg17[%swap3A_115, %swap3A_116], %swap3A_119 {strides = array<i32>} : memref<16x64xf32, #tpu.memory_space<vmem>>, vector<1x16xf32>,
      %swap3A_120 = arith.constant 8 : i32
      %swap3A_121 = arith.index_cast %swap3A_120 : i32 to index
      %swap3A_122 = arith.constant 48 : index
      %swap3A_123 = tpu.vector_load %arg17[%swap3A_121, %swap3A_122] {strides = array<i32>} : memref<16x64xf32, #tpu.memory_space<vmem>>, vector<1x16xf32>,
      %swap3A_124 = vector.shape_cast %swap3A_123 : vector<1x16xf32> to vector<16xf32>
      %swap3A_125 = vector.shape_cast %scan3A_77#7 : vector<16xf32> to vector<1x16xf32>
      tpu.vector_store %arg17[%swap3A_121, %swap3A_122], %swap3A_125 {strides = array<i32>} : memref<16x64xf32, #tpu.memory_space<vmem>>, vector<1x16xf32>,
      "tpu.region"() ({
        %run_scoped3A = tpu.sem_alloc : memref<!tpu.dma_semaphore, #tpu.memory_space<semaphore_mem>>
        %dma_start3A = arith.constant 0 : i32
        %dma_start3A_126 = arith.constant 0 : i32
        %dma_start3A_127 = tpu.memref_slice %arg7[%arg0, %dma_start3A, %dma_start3A_126] : memref<2x320000x64xf32, #tpu.memory_space<hbm>> -> memref<1x320000x64xf32, #tpu.memory_space<hbm>>
        %dma_start3A_128 = tpu.memref_squeeze %dma_start3A_127 : memref<1x320000x64xf32, #tpu.memory_space<hbm>> -> memref<320000x64xf32, #tpu.memory_space<hbm>>
        %dma_start3A_129 = arith.constant 0 : i32
        %dma_start3A_130 = tpu.memref_slice %dma_start3A_128[%add3A_33, %dma_start3A_129] : memref<320000x64xf32, #tpu.memory_space<hbm>> -> memref<80x64xf32, #tpu.memory_space<hbm>>
        %dma_start3A_131 = arith.constant 0 : i32
        %dma_start3A_132 = arith.constant 0 : i32
        %dma_start3A_133 = tpu.memref_slice %arg7[%arg0, %dma_start3A_131, %dma_start3A_132] : memref<2x320000x64xf32, #tpu.memory_space<hbm>> -> memref<1x320000x64xf32, #tpu.memory_space<hbm>>
        %dma_start3A_134 = tpu.memref_squeeze %dma_start3A_133 : memref<1x320000x64xf32, #tpu.memory_space<hbm>> -> memref<320000x64xf32, #tpu.memory_space<hbm>>
        %dma_start3A_135 = arith.constant 0 : i32
        %dma_start3A_136 = tpu.memref_slice %dma_start3A_134[%add3A_33, %dma_start3A_135] : memref<320000x64xf32, #tpu.memory_space<hbm>> -> memref<80x64xf32, #tpu.memory_space<hbm>>
        tpu.enqueue_dma source(%arg13 : memref<80x64xf32, #tpu.memory_space<vmem>>) target(%dma_start3A_136 : memref<80x64xf32, #tpu.memory_space<hbm>>) target_semaphore(%run_scoped3A : memref<!tpu.dma_semaphore, #tpu.memory_space<semaphore_mem>>)
        %dma_wait3A = arith.constant 0 : i32
        %dma_wait3A_137 = arith.constant 0 : i32
        %dma_wait3A_138 = tpu.memref_slice %arg7[%arg0, %dma_wait3A, %dma_wait3A_137] : memref<2x320000x64xf32, #tpu.memory_space<hbm>> -> memref<1x320000x64xf32, #tpu.memory_space<hbm>>
        %dma_wait3A_139 = tpu.memref_squeeze %dma_wait3A_138 : memref<1x320000x64xf32, #tpu.memory_space<hbm>> -> memref<320000x64xf32, #tpu.memory_space<hbm>>
        %dma_wait3A_140 = arith.constant 0 : i32
        %dma_wait3A_141 = tpu.memref_slice %dma_wait3A_139[%add3A_33, %dma_wait3A_140] : memref<320000x64xf32, #tpu.memory_space<hbm>> -> memref<80x64xf32, #tpu.memory_space<hbm>>
        %dma_wait3A_142 = arith.constant 0 : i32
        %dma_wait3A_143 = arith.constant 0 : i32
        %dma_wait3A_144 = tpu.memref_slice %arg7[%arg0, %dma_wait3A_142, %dma_wait3A_143] : memref<2x320000x64xf32, #tpu.memory_space<hbm>> -> memref<1x320000x64xf32, #tpu.memory_space<hbm>>
        %dma_wait3A_145 = tpu.memref_squeeze %dma_wait3A_144 : memref<1x320000x64xf32, #tpu.memory_space<hbm>> -> memref<320000x64xf32, #tpu.memory_space<hbm>>
        %dma_wait3A_146 = arith.constant 0 : i32
        %dma_wait3A_147 = tpu.memref_slice %dma_wait3A_145[%add3A_33, %dma_wait3A_146] : memref<320000x64xf32, #tpu.memory_space<hbm>> -> memref<80x64xf32, #tpu.memory_space<hbm>>
        tpu.wait_dma2 semaphore(%run_scoped3A : memref<!tpu.dma_semaphore, #tpu.memory_space<semaphore_mem>>) src(%arg13 : memref<80x64xf32, #tpu.memory_space<vmem>>) dst(%dma_wait3A_147 : memref<80x64xf32, #tpu.memory_space<hbm>>)
        tpu.yield
      }) : () -> ()
      "tpu.region"() ({
        %run_scoped3A = tpu.sem_alloc : memref<!tpu.dma_semaphore, #tpu.memory_space<semaphore_mem>>
        %dma_start3A = arith.constant 0 : i32
        %dma_start3A_126 = arith.constant 0 : i32
        %dma_start3A_127 = tpu.memref_slice %arg18[%dma_start3A, %dma_start3A_126] : memref<10000x128xf32, #tpu.memory_space<vmem_shared>> -> memref<10000x128xf32, #tpu.memory_space<vmem_shared>>
        tpu.enqueue_indirect_dma source(%arg16 : memref<80x128xf32, #tpu.memory_space<vmem>>) target(%dma_start3A_127 : memref<10000x128xf32, #tpu.memory_space<vmem_shared>>) offsets(%arg12 : memref<80xi32, #tpu.memory_space<vmem>>) semaphore(%run_scoped3A : memref<!tpu.dma_semaphore, #tpu.memory_space<semaphore_mem>>) {add = true}
        %dma_wait3A = arith.constant 0 : i32
        %dma_wait3A_128 = arith.constant 0 : i32
        %dma_wait3A_129 = tpu.memref_slice %arg18[%dma_wait3A, %dma_wait3A_128] : memref<10000x128xf32, #tpu.memory_space<vmem_shared>> -> memref<10000x128xf32, #tpu.memory_space<vmem_shared>>
        tpu.wait_indirect_dma semaphore(%run_scoped3A : memref<!tpu.dma_semaphore, #tpu.memory_space<semaphore_mem>>) src(%arg16 : memref<80x128xf32, #tpu.memory_space<vmem>>) dst(%dma_wait3A_129 : memref<10000x128xf32, #tpu.memory_space<vmem_shared>>)
        tpu.yield
      }) : () -> ()
    }
    %scan3A_19 = arith.constant 250 : i32
    "tpu.region"() ({
      %run_scoped3A = tpu.sem_alloc : memref<!tpu.dma_semaphore, #tpu.memory_space<semaphore_mem>>
      %dma_start3A = arith.constant 0 : i32
      %dma_start3A_26 = arith.constant 0 : i32
      %dma_start3A_27 = tpu.memref_slice %arg17[%dma_start3A, %dma_start3A_26] : memref<16x64xf32, #tpu.memory_space<vmem>> -> memref<8x64xf32, #tpu.memory_space<vmem>>
      %dma_start3A_28 = arith.constant 0 : i32
      %dma_start3A_29 = arith.constant 0 : i32
      %dma_start3A_30 = arith.constant 0 : i32
      %dma_start3A_31 = tpu.memref_slice %arg9[%arg0, %dma_start3A_28, %dma_start3A_29, %dma_start3A_30] : memref<2x16x8x64xf32, #tpu.memory_space<hbm>> -> memref<1x16x8x64xf32, #tpu.memory_space<hbm>>
      %dma_start3A_32 = tpu.memref_squeeze %dma_start3A_31 : memref<1x16x8x64xf32, #tpu.memory_space<hbm>> -> memref<16x8x64xf32, #tpu.memory_space<hbm>>
      %dma_start3A_33 = arith.constant 0 : i32
      %dma_start3A_34 = arith.constant 0 : i32
      %dma_start3A_35 = tpu.memref_slice %dma_start3A_32[%arg1, %dma_start3A_33, %dma_start3A_34] : memref<16x8x64xf32, #tpu.memory_space<hbm>> -> memref<1x8x64xf32, #tpu.memory_space<hbm>>
      %dma_start3A_36 = tpu.memref_squeeze %dma_start3A_35 : memref<1x8x64xf32, #tpu.memory_space<hbm>> -> memref<8x64xf32, #tpu.memory_space<hbm>>
      %dma_start3A_37 = arith.constant 0 : i32
      %dma_start3A_38 = arith.constant 0 : i32
      %dma_start3A_39 = arith.constant 0 : i32
      %dma_start3A_40 = tpu.memref_slice %arg9[%arg0, %dma_start3A_37, %dma_start3A_38, %dma_start3A_39] : memref<2x16x8x64xf32, #tpu.memory_space<hbm>> -> memref<1x16x8x64xf32, #tpu.memory_space<hbm>>
      %dma_start3A_41 = tpu.memref_squeeze %dma_start3A_40 : memref<1x16x8x64xf32, #tpu.memory_space<hbm>> -> memref<16x8x64xf32, #tpu.memory_space<hbm>>
      %dma_start3A_42 = arith.constant 0 : i32
      %dma_start3A_43 = arith.constant 0 : i32
      %dma_start3A_44 = tpu.memref_slice %dma_start3A_41[%arg1, %dma_start3A_42, %dma_start3A_43] : memref<16x8x64xf32, #tpu.memory_space<hbm>> -> memref<1x8x64xf32, #tpu.memory_space<hbm>>
      %dma_start3A_45 = tpu.memref_squeeze %dma_start3A_44 : memref<1x8x64xf32, #tpu.memory_space<hbm>> -> memref<8x64xf32, #tpu.memory_space<hbm>>
      %dma_start3A_46 = arith.constant 0 : i32
      %dma_start3A_47 = arith.constant 0 : i32
      %dma_start3A_48 = tpu.memref_slice %arg17[%dma_start3A_46, %dma_start3A_47] : memref<16x64xf32, #tpu.memory_space<vmem>> -> memref<8x64xf32, #tpu.memory_space<vmem>>
      tpu.enqueue_dma source(%dma_start3A_48 : memref<8x64xf32, #tpu.memory_space<vmem>>) target(%dma_start3A_45 : memref<8x64xf32, #tpu.memory_space<hbm>>) target_semaphore(%run_scoped3A : memref<!tpu.dma_semaphore, #tpu.memory_space<semaphore_mem>>)
      %dma_wait3A = arith.constant 0 : i32
      %dma_wait3A_49 = arith.constant 0 : i32
      %dma_wait3A_50 = tpu.memref_slice %arg17[%dma_wait3A, %dma_wait3A_49] : memref<16x64xf32, #tpu.memory_space<vmem>> -> memref<8x64xf32, #tpu.memory_space<vmem>>
      %dma_wait3A_51 = arith.constant 0 : i32
      %dma_wait3A_52 = arith.constant 0 : i32
      %dma_wait3A_53 = arith.constant 0 : i32
      %dma_wait3A_54 = tpu.memref_slice %arg9[%arg0, %dma_wait3A_51, %dma_wait3A_52, %dma_wait3A_53] : memref<2x16x8x64xf32, #tpu.memory_space<hbm>> -> memref<1x16x8x64xf32, #tpu.memory_space<hbm>>
      %dma_wait3A_55 = tpu.memref_squeeze %dma_wait3A_54 : memref<1x16x8x64xf32, #tpu.memory_space<hbm>> -> memref<16x8x64xf32, #tpu.memory_space<hbm>>
      %dma_wait3A_56 = arith.constant 0 : i32
      %dma_wait3A_57 = arith.constant 0 : i32
      %dma_wait3A_58 = tpu.memref_slice %dma_wait3A_55[%arg1, %dma_wait3A_56, %dma_wait3A_57] : memref<16x8x64xf32, #tpu.memory_space<hbm>> -> memref<1x8x64xf32, #tpu.memory_space<hbm>>
      %dma_wait3A_59 = tpu.memref_squeeze %dma_wait3A_58 : memref<1x8x64xf32, #tpu.memory_space<hbm>> -> memref<8x64xf32, #tpu.memory_space<hbm>>
      %dma_wait3A_60 = arith.constant 0 : i32
      %dma_wait3A_61 = arith.constant 0 : i32
      %dma_wait3A_62 = arith.constant 0 : i32
      %dma_wait3A_63 = tpu.memref_slice %arg9[%arg0, %dma_wait3A_60, %dma_wait3A_61, %dma_wait3A_62] : memref<2x16x8x64xf32, #tpu.memory_space<hbm>> -> memref<1x16x8x64xf32, #tpu.memory_space<hbm>>
      %dma_wait3A_64 = tpu.memref_squeeze %dma_wait3A_63 : memref<1x16x8x64xf32, #tpu.memory_space<hbm>> -> memref<16x8x64xf32, #tpu.memory_space<hbm>>
      %dma_wait3A_65 = arith.constant 0 : i32
      %dma_wait3A_66 = arith.constant 0 : i32
      %dma_wait3A_67 = tpu.memref_slice %dma_wait3A_64[%arg1, %dma_wait3A_65, %dma_wait3A_66] : memref<16x8x64xf32, #tpu.memory_space<hbm>> -> memref<1x8x64xf32, #tpu.memory_space<hbm>>
      %dma_wait3A_68 = tpu.memref_squeeze %dma_wait3A_67 : memref<1x8x64xf32, #tpu.memory_space<hbm>> -> memref<8x64xf32, #tpu.memory_space<hbm>>
      %dma_wait3A_69 = arith.constant 0 : i32
      %dma_wait3A_70 = arith.constant 0 : i32
      %dma_wait3A_71 = tpu.memref_slice %arg17[%dma_wait3A_69, %dma_wait3A_70] : memref<16x64xf32, #tpu.memory_space<vmem>> -> memref<8x64xf32, #tpu.memory_space<vmem>>
      tpu.wait_dma2 semaphore(%run_scoped3A : memref<!tpu.dma_semaphore, #tpu.memory_space<semaphore_mem>>) src(%dma_wait3A_71 : memref<8x64xf32, #tpu.memory_space<vmem>>) dst(%dma_wait3A_68 : memref<8x64xf32, #tpu.memory_space<hbm>>)
      tpu.yield
    }) : () -> ()
    "tpu.region"() ({
      %run_scoped3A = tpu.sem_alloc : memref<!tpu.dma_semaphore, #tpu.memory_space<semaphore_mem>>
      %dma_start3A = arith.constant 8 : i32
      %dma_start3A_26 = arith.constant 0 : i32
      %dma_start3A_27 = tpu.memref_slice %arg17[%dma_start3A, %dma_start3A_26] : memref<16x64xf32, #tpu.memory_space<vmem>> -> memref<8x64xf32, #tpu.memory_space<vmem>>
      %dma_start3A_28 = arith.constant 0 : i32
      %dma_start3A_29 = arith.constant 0 : i32
      %dma_start3A_30 = arith.constant 0 : i32
      %dma_start3A_31 = tpu.memref_slice %arg10[%arg0, %dma_start3A_28, %dma_start3A_29, %dma_start3A_30] : memref<2x16x8x64xf32, #tpu.memory_space<hbm>> -> memref<1x16x8x64xf32, #tpu.memory_space<hbm>>
      %dma_start3A_32 = tpu.memref_squeeze %dma_start3A_31 : memref<1x16x8x64xf32, #tpu.memory_space<hbm>> -> memref<16x8x64xf32, #tpu.memory_space<hbm>>
      %dma_start3A_33 = arith.constant 0 : i32
      %dma_start3A_34 = arith.constant 0 : i32
      %dma_start3A_35 = tpu.memref_slice %dma_start3A_32[%arg1, %dma_start3A_33, %dma_start3A_34] : memref<16x8x64xf32, #tpu.memory_space<hbm>> -> memref<1x8x64xf32, #tpu.memory_space<hbm>>
      %dma_start3A_36 = tpu.memref_squeeze %dma_start3A_35 : memref<1x8x64xf32, #tpu.memory_space<hbm>> -> memref<8x64xf32, #tpu.memory_space<hbm>>
      %dma_start3A_37 = arith.constant 0 : i32
      %dma_start3A_38 = arith.constant 0 : i32
      %dma_start3A_39 = arith.constant 0 : i32
      %dma_start3A_40 = tpu.memref_slice %arg10[%arg0, %dma_start3A_37, %dma_start3A_38, %dma_start3A_39] : memref<2x16x8x64xf32, #tpu.memory_space<hbm>> -> memref<1x16x8x64xf32, #tpu.memory_space<hbm>>
      %dma_start3A_41 = tpu.memref_squeeze %dma_start3A_40 : memref<1x16x8x64xf32, #tpu.memory_space<hbm>> -> memref<16x8x64xf32, #tpu.memory_space<hbm>>
      %dma_start3A_42 = arith.constant 0 : i32
      %dma_start3A_43 = arith.constant 0 : i32
      %dma_start3A_44 = tpu.memref_slice %dma_start3A_41[%arg1, %dma_start3A_42, %dma_start3A_43] : memref<16x8x64xf32, #tpu.memory_space<hbm>> -> memref<1x8x64xf32, #tpu.memory_space<hbm>>
      %dma_start3A_45 = tpu.memref_squeeze %dma_start3A_44 : memref<1x8x64xf32, #tpu.memory_space<hbm>> -> memref<8x64xf32, #tpu.memory_space<hbm>>
      %dma_start3A_46 = arith.constant 8 : i32
      %dma_start3A_47 = arith.constant 0 : i32
      %dma_start3A_48 = tpu.memref_slice %arg17[%dma_start3A_46, %dma_start3A_47] : memref<16x64xf32, #tpu.memory_space<vmem>> -> memref<8x64xf32, #tpu.memory_space<vmem>>
      tpu.enqueue_dma source(%dma_start3A_48 : memref<8x64xf32, #tpu.memory_space<vmem>>) target(%dma_start3A_45 : memref<8x64xf32, #tpu.memory_space<hbm>>) target_semaphore(%run_scoped3A : memref<!tpu.dma_semaphore, #tpu.memory_space<semaphore_mem>>)
      %dma_wait3A = arith.constant 8 : i32
      %dma_wait3A_49 = arith.constant 0 : i32
      %dma_wait3A_50 = tpu.memref_slice %arg17[%dma_wait3A, %dma_wait3A_49] : memref<16x64xf32, #tpu.memory_space<vmem>> -> memref<8x64xf32, #tpu.memory_space<vmem>>
      %dma_wait3A_51 = arith.constant 0 : i32
      %dma_wait3A_52 = arith.constant 0 : i32
      %dma_wait3A_53 = arith.constant 0 : i32
      %dma_wait3A_54 = tpu.memref_slice %arg10[%arg0, %dma_wait3A_51, %dma_wait3A_52, %dma_wait3A_53] : memref<2x16x8x64xf32, #tpu.memory_space<hbm>> -> memref<1x16x8x64xf32, #tpu.memory_space<hbm>>
      %dma_wait3A_55 = tpu.memref_squeeze %dma_wait3A_54 : memref<1x16x8x64xf32, #tpu.memory_space<hbm>> -> memref<16x8x64xf32, #tpu.memory_space<hbm>>
      %dma_wait3A_56 = arith.constant 0 : i32
      %dma_wait3A_57 = arith.constant 0 : i32
      %dma_wait3A_58 = tpu.memref_slice %dma_wait3A_55[%arg1, %dma_wait3A_56, %dma_wait3A_57] : memref<16x8x64xf32, #tpu.memory_space<hbm>> -> memref<1x8x64xf32, #tpu.memory_space<hbm>>
      %dma_wait3A_59 = tpu.memref_squeeze %dma_wait3A_58 : memref<1x8x64xf32, #tpu.memory_space<hbm>> -> memref<8x64xf32, #tpu.memory_space<hbm>>
      %dma_wait3A_60 = arith.constant 0 : i32
      %dma_wait3A_61 = arith.constant 0 : i32
      %dma_wait3A_62 = arith.constant 0 : i32
      %dma_wait3A_63 = tpu.memref_slice %arg10[%arg0, %dma_wait3A_60, %dma_wait3A_61, %dma_wait3A_62] : memref<2x16x8x64xf32, #tpu.memory_space<hbm>> -> memref<1x16x8x64xf32, #tpu.memory_space<hbm>>
      %dma_wait3A_64 = tpu.memref_squeeze %dma_wait3A_63 : memref<1x16x8x64xf32, #tpu.memory_space<hbm>> -> memref<16x8x64xf32, #tpu.memory_space<hbm>>
      %dma_wait3A_65 = arith.constant 0 : i32
      %dma_wait3A_66 = arith.constant 0 : i32
      %dma_wait3A_67 = tpu.memref_slice %dma_wait3A_64[%arg1, %dma_wait3A_65, %dma_wait3A_66] : memref<16x8x64xf32, #tpu.memory_space<hbm>> -> memref<1x8x64xf32, #tpu.memory_space<hbm>>
      %dma_wait3A_68 = tpu.memref_squeeze %dma_wait3A_67 : memref<1x8x64xf32, #tpu.memory_space<hbm>> -> memref<8x64xf32, #tpu.memory_space<hbm>>
      %dma_wait3A_69 = arith.constant 8 : i32
      %dma_wait3A_70 = arith.constant 0 : i32
      %dma_wait3A_71 = tpu.memref_slice %arg17[%dma_wait3A_69, %dma_wait3A_70] : memref<16x64xf32, #tpu.memory_space<vmem>> -> memref<8x64xf32, #tpu.memory_space<vmem>>
      tpu.wait_dma2 semaphore(%run_scoped3A : memref<!tpu.dma_semaphore, #tpu.memory_space<semaphore_mem>>) src(%dma_wait3A_71 : memref<8x64xf32, #tpu.memory_space<vmem>>) dst(%dma_wait3A_68 : memref<8x64xf32, #tpu.memory_space<hbm>>)
      tpu.yield
    }) : () -> ()
    %barrier3A_20 = arith.constant 0 : index
    tpu.barrier barrier_id(%barrier3A_20)
    %scan3A_21 = arith.constant 0 : i32
    %scan3A_22 = arith.constant 8 : i32
    %scan3A_23 = arith.addi %scan3A_21, %scan3A_22 : i32
    %scan3A_24 = arith.constant 1 : i32
    scf.for %scan3A_26 = %scan3A_21 to %scan3A_23 step %scan3A_24  : i32 {
      %mul3A = arith.constant 1 : i32
      %mul3A_27 = arith.muli %scan3A_26, %mul3A : i32
      %add3A = arith.constant 0 : i32
      %add3A_28 = arith.addi %add3A, %mul3A_27 : i32
      %mul3A_29 = arith.constant 16 : i32
      %mul3A_30 = arith.muli %add3A_28, %mul3A_29 : i32
      %add3A_31 = arith.addi %arg1, %mul3A_30 : i32
      %lt3A = arith.constant 125 : i32
      %lt3A_32 = arith.cmpi slt, %add3A_31, %lt3A : i32
      %convert_element_type3A = arith.extui %lt3A_32 : i1 to i32
      %cond3A = arith.constant 0 : i32
      %cond3A_33 = arith.cmpi ne, %convert_element_type3A, %cond3A : i32
      scf.if %cond3A_33 {
        %mul3A_34 = arith.constant 80 : i32
        %mul3A_35 = arith.muli %add3A_31, %mul3A_34 : i32
        "tpu.region"() ({
          %run_scoped3A = tpu.sem_alloc : memref<!tpu.dma_semaphore, #tpu.memory_space<semaphore_mem>>
          %dma_start3A = arith.constant 0 : i32
          %dma_start3A_36 = arith.constant 0 : i32
          %dma_start3A_37 = tpu.memref_slice %arg8[%arg0, %dma_start3A, %dma_start3A_36] : memref<2x10000x128xf32, #tpu.memory_space<hbm>> -> memref<1x10000x128xf32, #tpu.memory_space<hbm>>
          %dma_start3A_38 = tpu.memref_squeeze %dma_start3A_37 : memref<1x10000x128xf32, #tpu.memory_space<hbm>> -> memref<10000x128xf32, #tpu.memory_space<hbm>>
          %dma_start3A_39 = arith.constant 0 : i32
          %dma_start3A_40 = tpu.memref_slice %dma_start3A_38[%mul3A_35, %dma_start3A_39] : memref<10000x128xf32, #tpu.memory_space<hbm>> -> memref<80x128xf32, #tpu.memory_space<hbm>>
          %dma_start3A_41 = arith.constant 0 : i32
          %dma_start3A_42 = tpu.memref_slice %arg18[%mul3A_35, %dma_start3A_41] : memref<10000x128xf32, #tpu.memory_space<vmem_shared>> -> memref<80x128xf32, #tpu.memory_space<vmem_shared>>
          tpu.enqueue_dma source(%dma_start3A_42 : memref<80x128xf32, #tpu.memory_space<vmem_shared>>) target(%dma_start3A_40 : memref<80x128xf32, #tpu.memory_space<hbm>>) target_semaphore(%run_scoped3A : memref<!tpu.dma_semaphore, #tpu.memory_space<semaphore_mem>>)
          %dma_wait3A = arith.constant 0 : i32
          %dma_wait3A_43 = arith.constant 0 : i32
          %dma_wait3A_44 = tpu.memref_slice %arg8[%arg0, %dma_wait3A, %dma_wait3A_43] : memref<2x10000x128xf32, #tpu.memory_space<hbm>> -> memref<1x10000x128xf32, #tpu.memory_space<hbm>>
          %dma_wait3A_45 = tpu.memref_squeeze %dma_wait3A_44 : memref<1x10000x128xf32, #tpu.memory_space<hbm>> -> memref<10000x128xf32, #tpu.memory_space<hbm>>
          %dma_wait3A_46 = arith.constant 0 : i32
          %dma_wait3A_47 = tpu.memref_slice %dma_wait3A_45[%mul3A_35, %dma_wait3A_46] : memref<10000x128xf32, #tpu.memory_space<hbm>> -> memref<80x128xf32, #tpu.memory_space<hbm>>
          %dma_wait3A_48 = arith.constant 0 : i32
          %dma_wait3A_49 = tpu.memref_slice %arg18[%mul3A_35, %dma_wait3A_48] : memref<10000x128xf32, #tpu.memory_space<vmem_shared>> -> memref<80x128xf32, #tpu.memory_space<vmem_shared>>
          tpu.wait_dma2 semaphore(%run_scoped3A : memref<!tpu.dma_semaphore, #tpu.memory_space<semaphore_mem>>) src(%dma_wait3A_49 : memref<80x128xf32, #tpu.memory_space<vmem_shared>>) dst(%dma_wait3A_47 : memref<80x128xf32, #tpu.memory_space<hbm>>)
          tpu.yield
        }) : () -> ()
      } else {
      }
    }
    %scan3A_25 = arith.constant 8 : i32
    return
  }
}

module attributes {stable_mosaic.version = 14 : i64} {
  func.func @body(%arg0: i32, %arg1: memref<4000x128xf32, #tpu.memory_space<vmem>>, %arg2: memref<128x128xf32, #tpu.memory_space<vmem>>, %arg3: memref<1x128xf32, #tpu.memory_space<vmem>>, %arg4: memref<2x4000x64xf32, #tpu.memory_space<vmem>>) attributes {dimension_semantics = [#tpu.dimension_semantics<arbitrary>], iteration_bounds = array<i64: 80>, scalar_prefetch = 0 : i64, scratch_operands = 0 : i64, tpu.core_type = #tpu.core_type<tc>, window_params = [{transform_indices = @transform_0, window_bounds = array<i64: 4000, 128>}, {pipeline_mode = #tpu.pipeline_mode<synchronous>, transform_indices = @transform_1, window_bounds = array<i64: 128, 128>}, {pipeline_mode = #tpu.pipeline_mode<synchronous>, transform_indices = @transform_2, window_bounds = array<i64: 1, 128>}, {transform_indices = @transform_3, window_bounds = array<i64: 2, 4000, 64>}]} {
    %get3A = arith.constant 0 : index
    %get3A_0 = arith.constant 0 : index
    %get3A_1 = vector.load %arg1[%get3A, %get3A_0] : memref<4000x128xf32, #tpu.memory_space<vmem>>, vector<4000x128xf32>
    %get3A_2 = arith.constant 0 : index
    %get3A_3 = arith.constant 0 : index
    %get3A_4 = vector.load %arg2[%get3A_2, %get3A_3] : memref<128x128xf32, #tpu.memory_space<vmem>>, vector<128x128xf32>
    %dot_general3A = arith.constant dense<0.000000e+00> : vector<4000x128xf32>
    %dot_general3A_5 = tpu.matmul %get3A_1, %get3A_4, %dot_general3A {dimension_numbers = #tpu.dot_dimension_numbers<[1], [0], [0], [1], [0, 0, 1, 1], [], []>, transpose_lhs_hint = false} : vector<4000x128xf32>, vector<128x128xf32>, vector<4000x128xf32> -> vector<4000x128xf32>
    %get3A_6 = arith.constant 0 : index
    %get3A_7 = arith.constant 0 : index
    %get3A_8 = vector.load %arg3[%get3A_6, %get3A_7] : memref<1x128xf32, #tpu.memory_space<vmem>>, vector<1x128xf32>
    %add3A = vector.broadcast %get3A_8 : vector<1x128xf32> to vector<4000x128xf32>
    %add3A_9 = arith.addf %dot_general3A_5, %add3A : vector<4000x128xf32>
    %slice3A = vector.extract_strided_slice %add3A_9 {offsets = [0, 0], sizes = [4000, 64], strides = [1, 1]} : vector<4000x128xf32> to vector<4000x64xf32>
    %swap3A = arith.constant 0 : index
    %swap3A_10 = arith.constant 0 : index
    %swap3A_11 = arith.constant 0 : index
    %swap3A_12 = vector.load %arg4[%swap3A, %swap3A_10, %swap3A_11] : memref<2x4000x64xf32, #tpu.memory_space<vmem>>, vector<1x4000x64xf32>
    %swap3A_13 = vector.shape_cast %swap3A_12 : vector<1x4000x64xf32> to vector<4000x64xf32>
    %swap3A_14 = vector.shape_cast %slice3A : vector<4000x64xf32> to vector<1x4000x64xf32>
    tpu.vector_store %arg4[%swap3A, %swap3A_10, %swap3A_11], %swap3A_14 {strides = array<i32>} : memref<2x4000x64xf32, #tpu.memory_space<vmem>>, vector<1x4000x64xf32>,
    %slice3A_15 = vector.extract_strided_slice %add3A_9 {offsets = [0, 64], sizes = [4000, 64], strides = [1, 1]} : vector<4000x128xf32> to vector<4000x64xf32>
    %swap3A_16 = arith.constant 1 : index
    %swap3A_17 = arith.constant 0 : index
    %swap3A_18 = arith.constant 0 : index
    %swap3A_19 = vector.load %arg4[%swap3A_16, %swap3A_17, %swap3A_18] : memref<2x4000x64xf32, #tpu.memory_space<vmem>>, vector<1x4000x64xf32>
    %swap3A_20 = vector.shape_cast %swap3A_19 : vector<1x4000x64xf32> to vector<4000x64xf32>
    %swap3A_21 = vector.shape_cast %slice3A_15 : vector<4000x64xf32> to vector<1x4000x64xf32>
    tpu.vector_store %arg4[%swap3A_16, %swap3A_17, %swap3A_18], %swap3A_21 {strides = array<i32>} : memref<2x4000x64xf32, #tpu.memory_space<vmem>>, vector<1x4000x64xf32>,
    return
  }
  func.func @transform_0(%arg0: i32) -> (i32, i32) {
    %c0_i32 = arith.constant 0 : i32
    %c0_i32_0 = arith.constant 0 : i32
    return %arg0, %c0_i32 : i32, i32
  }
  func.func @transform_1(%arg0: i32) -> (i32, i32) {
    %c0_i32 = arith.constant 0 : i32
    %c0_i32_0 = arith.constant 0 : i32
    %c0_i32_1 = arith.constant 0 : i32
    return %c0_i32, %c0_i32_0 : i32, i32
  }
  func.func @transform_2(%arg0: i32) -> (i32, i32) {
    %c0_i32 = arith.constant 0 : i32
    %c0_i32_0 = arith.constant 0 : i32
    %c0_i32_1 = arith.constant 0 : i32
    return %c0_i32, %c0_i32_0 : i32, i32
  }
  func.func @transform_3(%arg0: i32) -> (i32, i32, i32) {
    %c0_i32 = arith.constant 0 : i32
    %c0_i32_0 = arith.constant 0 : i32
    %c0_i32_1 = arith.constant 0 : i32
    return %c0_i32, %arg0, %c0_i32_0 : i32, i32, i32
  }
}

module attributes {stable_mosaic.version = 14 : i64} {
  func.func @body(%arg0: memref<10000x128xf32, #tpu.memory_space<vmem>>, %arg1: memref<128x128xf32, #tpu.memory_space<vmem>>, %arg2: memref<1x128xf32, #tpu.memory_space<vmem>>, %arg3: memref<128x128xf32, #tpu.memory_space<vmem>>, %arg4: memref<1x128xf32, #tpu.memory_space<vmem>>, %arg5: memref<128x128xf32, #tpu.memory_space<vmem>>, %arg6: memref<1x128xf32, #tpu.memory_space<vmem>>, %arg7: memref<128x128xf32, #tpu.memory_space<vmem>>, %arg8: memref<1x128xf32, #tpu.memory_space<vmem>>, %arg9: memref<10000x128xf32, #tpu.memory_space<vmem>>, %arg10: memref<2x10000x128xf32, #tpu.memory_space<vmem>>, %arg11: memref<10000x128xf32, #tpu.memory_space<vmem>>) attributes {dimension_semantics = [], scalar_prefetch = 0 : i64, scratch_operands = 0 : i64, tpu.core_type = #tpu.core_type<tc>} {
    %get3A = arith.constant 0 : index
    %get3A_0 = arith.constant 0 : index
    %get3A_1 = vector.load %arg0[%get3A, %get3A_0] : memref<10000x128xf32, #tpu.memory_space<vmem>>, vector<10000x128xf32>
    %get3A_2 = arith.constant 0 : index
    %get3A_3 = arith.constant 0 : index
    %get3A_4 = vector.load %arg1[%get3A_2, %get3A_3] : memref<128x128xf32, #tpu.memory_space<vmem>>, vector<128x128xf32>
    %dot_general3A = arith.constant dense<0.000000e+00> : vector<10000x128xf32>
    %dot_general3A_5 = tpu.matmul %get3A_1, %get3A_4, %dot_general3A {dimension_numbers = #tpu.dot_dimension_numbers<[1], [0], [0], [1], [0, 0, 1, 1], [], []>, transpose_lhs_hint = false} : vector<10000x128xf32>, vector<128x128xf32>, vector<10000x128xf32> -> vector<10000x128xf32>
    %get3A_6 = arith.constant 0 : index
    %get3A_7 = arith.constant 0 : index
    %get3A_8 = vector.load %arg2[%get3A_6, %get3A_7] : memref<1x128xf32, #tpu.memory_space<vmem>>, vector<1x128xf32>
    %add3A = vector.broadcast %get3A_8 : vector<1x128xf32> to vector<10000x128xf32>
    %add3A_9 = arith.addf %dot_general3A_5, %add3A : vector<10000x128xf32>
    %swap3A = arith.constant 0 : index
    %swap3A_10 = arith.constant 0 : index
    %swap3A_11 = vector.load %arg9[%swap3A, %swap3A_10] : memref<10000x128xf32, #tpu.memory_space<vmem>>, vector<10000x128xf32>
    tpu.vector_store %arg9[%swap3A, %swap3A_10], %add3A_9 {strides = array<i32>} : memref<10000x128xf32, #tpu.memory_space<vmem>>, vector<10000x128xf32>,
    %get3A_12 = arith.constant 0 : index
    %get3A_13 = arith.constant 0 : index
    %get3A_14 = vector.load %arg3[%get3A_12, %get3A_13] : memref<128x128xf32, #tpu.memory_space<vmem>>, vector<128x128xf32>
    %dot_general3A_15 = arith.constant dense<0.000000e+00> : vector<10000x128xf32>
    %dot_general3A_16 = tpu.matmul %get3A_1, %get3A_14, %dot_general3A_15 {dimension_numbers = #tpu.dot_dimension_numbers<[1], [0], [0], [1], [0, 0, 1, 1], [], []>, transpose_lhs_hint = false} : vector<10000x128xf32>, vector<128x128xf32>, vector<10000x128xf32> -> vector<10000x128xf32>
    %get3A_17 = arith.constant 0 : index
    %get3A_18 = arith.constant 0 : index
    %get3A_19 = vector.load %arg4[%get3A_17, %get3A_18] : memref<1x128xf32, #tpu.memory_space<vmem>>, vector<1x128xf32>
    %add3A_20 = vector.broadcast %get3A_19 : vector<1x128xf32> to vector<10000x128xf32>
    %add3A_21 = arith.addf %dot_general3A_16, %add3A_20 : vector<10000x128xf32>
    %get3A_22 = arith.constant 0 : index
    %get3A_23 = arith.constant 0 : index
    %get3A_24 = vector.load %arg5[%get3A_22, %get3A_23] : memref<128x128xf32, #tpu.memory_space<vmem>>, vector<128x128xf32>
    %dot_general3A_25 = arith.constant dense<0.000000e+00> : vector<10000x128xf32>
    %dot_general3A_26 = tpu.matmul %get3A_1, %get3A_24, %dot_general3A_25 {dimension_numbers = #tpu.dot_dimension_numbers<[1], [0], [0], [1], [0, 0, 1, 1], [], []>, transpose_lhs_hint = false} : vector<10000x128xf32>, vector<128x128xf32>, vector<10000x128xf32> -> vector<10000x128xf32>
    %get3A_27 = arith.constant 0 : index
    %get3A_28 = arith.constant 0 : index
    %get3A_29 = vector.load %arg6[%get3A_27, %get3A_28] : memref<1x128xf32, #tpu.memory_space<vmem>>, vector<1x128xf32>
    %add3A_30 = vector.broadcast %get3A_29 : vector<1x128xf32> to vector<10000x128xf32>
    %add3A_31 = arith.addf %dot_general3A_26, %add3A_30 : vector<10000x128xf32>
    %slice3A = vector.extract_strided_slice %add3A_31 {offsets = [0, 0], sizes = [10000, 64], strides = [1, 1]} : vector<10000x128xf32> to vector<10000x64xf32>
    %slice3A_32 = vector.extract_strided_slice %add3A_21 {offsets = [0, 0], sizes = [10000, 64], strides = [1, 1]} : vector<10000x128xf32> to vector<10000x64xf32>
    %concatenate3A = tpu.concatenate %slice3A, %slice3A_32 in 1 : vector<10000x64xf32>, vector<10000x64xf32> -> vector<10000x128xf32>
    %swap3A_33 = arith.constant 0 : index
    %swap3A_34 = arith.constant 0 : index
    %swap3A_35 = arith.constant 0 : index
    %swap3A_36 = vector.load %arg10[%swap3A_33, %swap3A_34, %swap3A_35] : memref<2x10000x128xf32, #tpu.memory_space<vmem>>, vector<1x10000x128xf32>
    %swap3A_37 = vector.shape_cast %swap3A_36 : vector<1x10000x128xf32> to vector<10000x128xf32>
    %swap3A_38 = vector.shape_cast %concatenate3A : vector<10000x128xf32> to vector<1x10000x128xf32>
    tpu.vector_store %arg10[%swap3A_33, %swap3A_34, %swap3A_35], %swap3A_38 {strides = array<i32>} : memref<2x10000x128xf32, #tpu.memory_space<vmem>>, vector<1x10000x128xf32>,
    %slice3A_39 = vector.extract_strided_slice %add3A_31 {offsets = [0, 64], sizes = [10000, 64], strides = [1, 1]} : vector<10000x128xf32> to vector<10000x64xf32>
    %slice3A_40 = vector.extract_strided_slice %add3A_21 {offsets = [0, 64], sizes = [10000, 64], strides = [1, 1]} : vector<10000x128xf32> to vector<10000x64xf32>
    %concatenate3A_41 = tpu.concatenate %slice3A_39, %slice3A_40 in 1 : vector<10000x64xf32>, vector<10000x64xf32> -> vector<10000x128xf32>
    %swap3A_42 = arith.constant 1 : index
    %swap3A_43 = arith.constant 0 : index
    %swap3A_44 = arith.constant 0 : index
    %swap3A_45 = vector.load %arg10[%swap3A_42, %swap3A_43, %swap3A_44] : memref<2x10000x128xf32, #tpu.memory_space<vmem>>, vector<1x10000x128xf32>
    %swap3A_46 = vector.shape_cast %swap3A_45 : vector<1x10000x128xf32> to vector<10000x128xf32>
    %swap3A_47 = vector.shape_cast %concatenate3A_41 : vector<10000x128xf32> to vector<1x10000x128xf32>
    tpu.vector_store %arg10[%swap3A_42, %swap3A_43, %swap3A_44], %swap3A_47 {strides = array<i32>} : memref<2x10000x128xf32, #tpu.memory_space<vmem>>, vector<1x10000x128xf32>,
    %get3A_48 = arith.constant 0 : index
    %get3A_49 = arith.constant 0 : index
    %get3A_50 = vector.load %arg7[%get3A_48, %get3A_49] : memref<128x128xf32, #tpu.memory_space<vmem>>, vector<128x128xf32>
    %dot_general3A_51 = arith.constant dense<0.000000e+00> : vector<10000x128xf32>
    %dot_general3A_52 = tpu.matmul %get3A_1, %get3A_50, %dot_general3A_51 {dimension_numbers = #tpu.dot_dimension_numbers<[1], [0], [0], [1], [0, 0, 1, 1], [], []>, transpose_lhs_hint = false} : vector<10000x128xf32>, vector<128x128xf32>, vector<10000x128xf32> -> vector<10000x128xf32>
    %get3A_53 = arith.constant 0 : index
    %get3A_54 = arith.constant 0 : index
    %get3A_55 = vector.load %arg8[%get3A_53, %get3A_54] : memref<1x128xf32, #tpu.memory_space<vmem>>, vector<1x128xf32>
    %add3A_56 = vector.broadcast %get3A_55 : vector<1x128xf32> to vector<10000x128xf32>
    %add3A_57 = arith.addf %dot_general3A_52, %add3A_56 : vector<10000x128xf32>
    %swap3A_58 = arith.constant 0 : index
    %swap3A_59 = arith.constant 0 : index
    %swap3A_60 = vector.load %arg11[%swap3A_58, %swap3A_59] : memref<10000x128xf32, #tpu.memory_space<vmem>>, vector<10000x128xf32>
    tpu.vector_store %arg11[%swap3A_58, %swap3A_59], %add3A_57 {strides = array<i32>} : memref<10000x128xf32, #tpu.memory_space<vmem>>, vector<10000x128xf32>,
    return
  }
}

module attributes {stable_mosaic.version = 14 : i64} {
  func.func @body(%arg0: memref<10000x128xf32, #tpu.memory_space<vmem>>, %arg1: memref<2x10000x128xf32, #tpu.memory_space<vmem>>, %arg2: memref<2x16x8x64xf32, #tpu.memory_space<vmem>>, %arg3: memref<2x16x8x64xf32, #tpu.memory_space<vmem>>, %arg4: memref<1x128xf32, #tpu.memory_space<vmem>>, %arg5: memref<1x128xf32, #tpu.memory_space<vmem>>, %arg6: memref<1x128xf32, #tpu.memory_space<vmem>>, %arg7: memref<1x128xf32, #tpu.memory_space<vmem>>, %arg8: memref<10000x128xf32, #tpu.memory_space<vmem>>, %arg9: memref<2x128xf32, #tpu.memory_space<vmem>>) attributes {dimension_semantics = [], scalar_prefetch = 0 : i64, scratch_operands = 0 : i64, tpu.core_type = #tpu.core_type<tc>} {
    %get3A = arith.constant 0 : index
    %get3A_0 = arith.constant 0 : index
    %get3A_1 = arith.constant 0 : index
    %get3A_2 = vector.load %arg1[%get3A, %get3A_0, %get3A_1] : memref<2x10000x128xf32, #tpu.memory_space<vmem>>, vector<1x10000x128xf32>
    %get3A_3 = vector.shape_cast %get3A_2 : vector<1x10000x128xf32> to vector<10000x128xf32>
    %slice3A = vector.extract_strided_slice %get3A_3 {offsets = [0, 0], sizes = [10000, 64], strides = [1, 1]} : vector<10000x128xf32> to vector<10000x64xf32>
    %get3A_4 = arith.constant 1 : index
    %get3A_5 = arith.constant 0 : index
    %get3A_6 = arith.constant 0 : index
    %get3A_7 = vector.load %arg1[%get3A_4, %get3A_5, %get3A_6] : memref<2x10000x128xf32, #tpu.memory_space<vmem>>, vector<1x10000x128xf32>
    %get3A_8 = vector.shape_cast %get3A_7 : vector<1x10000x128xf32> to vector<10000x128xf32>
    %slice3A_9 = vector.extract_strided_slice %get3A_8 {offsets = [0, 0], sizes = [10000, 64], strides = [1, 1]} : vector<10000x128xf32> to vector<10000x64xf32>
    %concatenate3A = tpu.concatenate %slice3A, %slice3A_9 in 1 : vector<10000x64xf32>, vector<10000x64xf32> -> vector<10000x128xf32>
    %get3A_10 = arith.constant 0 : index
    %get3A_11 = arith.constant 0 : index
    %get3A_12 = arith.constant 0 : index
    %get3A_13 = vector.load %arg1[%get3A_10, %get3A_11, %get3A_12] : memref<2x10000x128xf32, #tpu.memory_space<vmem>>, vector<1x10000x128xf32>
    %get3A_14 = vector.shape_cast %get3A_13 : vector<1x10000x128xf32> to vector<10000x128xf32>
    %slice3A_15 = vector.extract_strided_slice %get3A_14 {offsets = [0, 64], sizes = [10000, 64], strides = [1, 1]} : vector<10000x128xf32> to vector<10000x64xf32>
    %get3A_16 = arith.constant 1 : index
    %get3A_17 = arith.constant 0 : index
    %get3A_18 = arith.constant 0 : index
    %get3A_19 = vector.load %arg1[%get3A_16, %get3A_17, %get3A_18] : memref<2x10000x128xf32, #tpu.memory_space<vmem>>, vector<1x10000x128xf32>
    %get3A_20 = vector.shape_cast %get3A_19 : vector<1x10000x128xf32> to vector<10000x128xf32>
    %slice3A_21 = vector.extract_strided_slice %get3A_20 {offsets = [0, 64], sizes = [10000, 64], strides = [1, 1]} : vector<10000x128xf32> to vector<10000x64xf32>
    %concatenate3A_22 = tpu.concatenate %slice3A_15, %slice3A_21 in 1 : vector<10000x64xf32>, vector<10000x64xf32> -> vector<10000x128xf32>
    %get3A_23 = arith.constant 0 : index
    %get3A_24 = arith.constant 0 : index
    %get3A_25 = vector.load %arg0[%get3A_23, %get3A_24] : memref<10000x128xf32, #tpu.memory_space<vmem>>, vector<10000x128xf32>
    %add3A = arith.constant 9.99999997E-7 : f32
    %add3A_26 = vector.broadcast %add3A : f32 to vector<10000x128xf32>
    %add3A_27 = arith.addf %concatenate3A_22, %add3A_26 : vector<10000x128xf32>
    %div3A = arith.divf %concatenate3A, %add3A_27 : vector<10000x128xf32>
    %add3A_28 = arith.addf %get3A_25, %div3A : vector<10000x128xf32>
    %reduce_sum3A = arith.constant dense<0.000000e+00> : vector<128xf32>
    %reduce_sum3A_29 = vector.multi_reduction <add>, %add3A_28, %reduce_sum3A [0] : vector<10000x128xf32> to vector<128xf32>
    %broadcast_in_dim3A = vector.shape_cast %reduce_sum3A_29 : vector<128xf32> to vector<1x128xf32>
    %div3A_30 = arith.constant 1.000000e+04 : f32
    %div3A_31 = vector.broadcast %div3A_30 : f32 to vector<1x128xf32>
    %div3A_32 = arith.divf %broadcast_in_dim3A, %div3A_31 : vector<1x128xf32>
    %sub3A = vector.broadcast %div3A_32 : vector<1x128xf32> to vector<10000x128xf32>
    %sub3A_33 = arith.subf %add3A_28, %sub3A : vector<10000x128xf32>
    %integer_pow3A = arith.mulf %sub3A_33, %sub3A_33 : vector<10000x128xf32>
    %reduce_sum3A_34 = arith.constant dense<0.000000e+00> : vector<128xf32>
    %reduce_sum3A_35 = vector.multi_reduction <add>, %integer_pow3A, %reduce_sum3A_34 [0] : vector<10000x128xf32> to vector<128xf32>
    %broadcast_in_dim3A_36 = vector.shape_cast %reduce_sum3A_35 : vector<128xf32> to vector<1x128xf32>
    %div3A_37 = arith.constant 1.000000e+04 : f32
    %div3A_38 = vector.broadcast %div3A_37 : f32 to vector<1x128xf32>
    %div3A_39 = arith.divf %broadcast_in_dim3A_36, %div3A_38 : vector<1x128xf32>
    %sub3A_40 = vector.broadcast %div3A_32 : vector<1x128xf32> to vector<10000x128xf32>
    %sub3A_41 = arith.subf %add3A_28, %sub3A_40 : vector<10000x128xf32>
    %add3A_42 = arith.constant 9.99999974E-6 : f32
    %add3A_43 = vector.broadcast %add3A_42 : f32 to vector<1x128xf32>
    %add3A_44 = arith.addf %div3A_39, %add3A_43 : vector<1x128xf32>
    %rsqrt3A = math.rsqrt %add3A_44 : vector<1x128xf32>
    %mul3A = vector.broadcast %rsqrt3A : vector<1x128xf32> to vector<10000x128xf32>
    %mul3A_45 = arith.mulf %sub3A_41, %mul3A : vector<10000x128xf32>
    %get3A_46 = arith.constant 0 : index
    %get3A_47 = arith.constant 0 : index
    %get3A_48 = vector.load %arg4[%get3A_46, %get3A_47] : memref<1x128xf32, #tpu.memory_space<vmem>>, vector<1x128xf32>
    %mul3A_49 = vector.broadcast %get3A_48 : vector<1x128xf32> to vector<10000x128xf32>
    %mul3A_50 = arith.mulf %mul3A_45, %mul3A_49 : vector<10000x128xf32>
    %get3A_51 = arith.constant 0 : index
    %get3A_52 = arith.constant 0 : index
    %get3A_53 = vector.load %arg5[%get3A_51, %get3A_52] : memref<1x128xf32, #tpu.memory_space<vmem>>, vector<1x128xf32>
    %add3A_54 = vector.broadcast %get3A_53 : vector<1x128xf32> to vector<10000x128xf32>
    %add3A_55 = arith.addf %mul3A_50, %add3A_54 : vector<10000x128xf32>
    %max3A = arith.constant 0.000000e+00 : f32
    %max3A_56 = vector.broadcast %max3A : f32 to vector<10000x128xf32>
    %max3A_57 = arith.maximumf %add3A_55, %max3A_56 : vector<10000x128xf32>
    %swap3A = arith.constant 0 : index
    %swap3A_58 = arith.constant 0 : index
    %swap3A_59 = vector.load %arg8[%swap3A, %swap3A_58] : memref<10000x128xf32, #tpu.memory_space<vmem>>, vector<10000x128xf32>
    tpu.vector_store %arg8[%swap3A, %swap3A_58], %max3A_57 {strides = array<i32>} : memref<10000x128xf32, #tpu.memory_space<vmem>>, vector<10000x128xf32>,
    %get3A_60 = arith.constant 0 : index
    %get3A_61 = arith.constant 0 : index
    %get3A_62 = arith.constant 0 : index
    %get3A_63 = arith.constant 0 : index
    %get3A_64 = vector.load %arg2[%get3A_60, %get3A_61, %get3A_62, %get3A_63] : memref<2x16x8x64xf32, #tpu.memory_space<vmem>>, vector<1x16x8x64xf32>
    %get3A_65 = vector.shape_cast %get3A_64 : vector<1x16x8x64xf32> to vector<16x8x64xf32>
    %reshape3A = vector.shape_cast %get3A_65 : vector<16x8x64xf32> to vector<128x64xf32>
    %reduce_sum3A_66 = arith.constant dense<0.000000e+00> : vector<64xf32>
    %reduce_sum3A_67 = vector.multi_reduction <add>, %reshape3A, %reduce_sum3A_66 [0] : vector<128x64xf32> to vector<64xf32>
    %broadcast_in_dim3A_68 = vector.shape_cast %reduce_sum3A_67 : vector<64xf32> to vector<1x64xf32>
    %get3A_69 = arith.constant 1 : index
    %get3A_70 = arith.constant 0 : index
    %get3A_71 = arith.constant 0 : index
    %get3A_72 = arith.constant 0 : index
    %get3A_73 = vector.load %arg2[%get3A_69, %get3A_70, %get3A_71, %get3A_72] : memref<2x16x8x64xf32, #tpu.memory_space<vmem>>, vector<1x16x8x64xf32>
    %get3A_74 = vector.shape_cast %get3A_73 : vector<1x16x8x64xf32> to vector<16x8x64xf32>
    %reshape3A_75 = vector.shape_cast %get3A_74 : vector<16x8x64xf32> to vector<128x64xf32>
    %reduce_sum3A_76 = arith.constant dense<0.000000e+00> : vector<64xf32>
    %reduce_sum3A_77 = vector.multi_reduction <add>, %reshape3A_75, %reduce_sum3A_76 [0] : vector<128x64xf32> to vector<64xf32>
    %broadcast_in_dim3A_78 = vector.shape_cast %reduce_sum3A_77 : vector<64xf32> to vector<1x64xf32>
    %concatenate3A_79 = tpu.concatenate %broadcast_in_dim3A_68, %broadcast_in_dim3A_78 in 1 : vector<1x64xf32>, vector<1x64xf32> -> vector<1x128xf32>
    %get3A_80 = arith.constant 0 : index
    %get3A_81 = arith.constant 0 : index
    %get3A_82 = arith.constant 0 : index
    %get3A_83 = arith.constant 0 : index
    %get3A_84 = vector.load %arg3[%get3A_80, %get3A_81, %get3A_82, %get3A_83] : memref<2x16x8x64xf32, #tpu.memory_space<vmem>>, vector<1x16x8x64xf32>
    %get3A_85 = vector.shape_cast %get3A_84 : vector<1x16x8x64xf32> to vector<16x8x64xf32>
    %reshape3A_86 = vector.shape_cast %get3A_85 : vector<16x8x64xf32> to vector<128x64xf32>
    %reduce_sum3A_87 = arith.constant dense<0.000000e+00> : vector<64xf32>
    %reduce_sum3A_88 = vector.multi_reduction <add>, %reshape3A_86, %reduce_sum3A_87 [0] : vector<128x64xf32> to vector<64xf32>
    %broadcast_in_dim3A_89 = vector.shape_cast %reduce_sum3A_88 : vector<64xf32> to vector<1x64xf32>
    %get3A_90 = arith.constant 1 : index
    %get3A_91 = arith.constant 0 : index
    %get3A_92 = arith.constant 0 : index
    %get3A_93 = arith.constant 0 : index
    %get3A_94 = vector.load %arg3[%get3A_90, %get3A_91, %get3A_92, %get3A_93] : memref<2x16x8x64xf32, #tpu.memory_space<vmem>>, vector<1x16x8x64xf32>
    %get3A_95 = vector.shape_cast %get3A_94 : vector<1x16x8x64xf32> to vector<16x8x64xf32>
    %reshape3A_96 = vector.shape_cast %get3A_95 : vector<16x8x64xf32> to vector<128x64xf32>
    %reduce_sum3A_97 = arith.constant dense<0.000000e+00> : vector<64xf32>
    %reduce_sum3A_98 = vector.multi_reduction <add>, %reshape3A_96, %reduce_sum3A_97 [0] : vector<128x64xf32> to vector<64xf32>
    %broadcast_in_dim3A_99 = vector.shape_cast %reduce_sum3A_98 : vector<64xf32> to vector<1x64xf32>
    %concatenate3A_100 = tpu.concatenate %broadcast_in_dim3A_89, %broadcast_in_dim3A_99 in 1 : vector<1x64xf32>, vector<1x64xf32> -> vector<1x128xf32>
    %mul3A_101 = arith.constant 3.125000e-06 : f32
    %mul3A_102 = vector.broadcast %mul3A_101 : f32 to vector<1x128xf32>
    %mul3A_103 = arith.mulf %concatenate3A_79, %mul3A_102 : vector<1x128xf32>
    %mul3A_104 = arith.constant 3.125000e-06 : f32
    %mul3A_105 = vector.broadcast %mul3A_104 : f32 to vector<1x128xf32>
    %mul3A_106 = arith.mulf %concatenate3A_100, %mul3A_105 : vector<1x128xf32>
    %mul3A_107 = arith.mulf %mul3A_103, %mul3A_103 : vector<1x128xf32>
    %sub3A_108 = arith.subf %mul3A_106, %mul3A_107 : vector<1x128xf32>
    %get3A_109 = arith.constant 0 : index
    %get3A_110 = arith.constant 0 : index
    %get3A_111 = vector.load %arg6[%get3A_109, %get3A_110] : memref<1x128xf32, #tpu.memory_space<vmem>>, vector<1x128xf32>
    %add3A_112 = arith.constant 9.99999974E-6 : f32
    %add3A_113 = vector.broadcast %add3A_112 : f32 to vector<1x128xf32>
    %add3A_114 = arith.addf %sub3A_108, %add3A_113 : vector<1x128xf32>
    %rsqrt3A_115 = math.rsqrt %add3A_114 : vector<1x128xf32>
    %mul3A_116 = arith.mulf %get3A_111, %rsqrt3A_115 : vector<1x128xf32>
    %get3A_117 = arith.constant 0 : index
    %get3A_118 = arith.constant 0 : index
    %get3A_119 = vector.load %arg7[%get3A_117, %get3A_118] : memref<1x128xf32, #tpu.memory_space<vmem>>, vector<1x128xf32>
    %mul3A_120 = arith.mulf %mul3A_103, %mul3A_116 : vector<1x128xf32>
    %sub3A_121 = arith.subf %get3A_119, %mul3A_120 : vector<1x128xf32>
    %swap3A_122 = arith.constant 0 : index
    %swap3A_123 = arith.constant 0 : index
    %swap3A_124 = vector.load %arg9[%swap3A_122, %swap3A_123] : memref<2x128xf32, #tpu.memory_space<vmem>>, vector<1x128xf32>
    tpu.vector_store %arg9[%swap3A_122, %swap3A_123], %mul3A_116 {strides = array<i32>} : memref<2x128xf32, #tpu.memory_space<vmem>>, vector<1x128xf32>,
    %swap3A_125 = arith.constant 1 : index
    %swap3A_126 = arith.constant 0 : index
    %swap3A_127 = vector.load %arg9[%swap3A_125, %swap3A_126] : memref<2x128xf32, #tpu.memory_space<vmem>>, vector<1x128xf32>
    tpu.vector_store %arg9[%swap3A_125, %swap3A_126], %sub3A_121 {strides = array<i32>} : memref<2x128xf32, #tpu.memory_space<vmem>>, vector<1x128xf32>,
    return
  }
}

module attributes {stable_mosaic.version = 14 : i64} {
  func.func @body(%arg0: i32, %arg1: memref<2x4000x64xf32, #tpu.memory_space<vmem>>, %arg2: memref<2x128xf32, #tpu.memory_space<vmem>>, %arg3: memref<4000x128xf32, #tpu.memory_space<vmem>>) attributes {dimension_semantics = [#tpu.dimension_semantics<arbitrary>], iteration_bounds = array<i64: 80>, scalar_prefetch = 0 : i64, scratch_operands = 0 : i64, tpu.core_type = #tpu.core_type<tc>, window_params = [{transform_indices = @transform_0, window_bounds = array<i64: 2, 4000, 64>}, {pipeline_mode = #tpu.pipeline_mode<synchronous>, transform_indices = @transform_1, window_bounds = array<i64: 2, 128>}, {transform_indices = @transform_2, window_bounds = array<i64: 4000, 128>}]} {
    %get3A = arith.constant 0 : index
    %get3A_0 = arith.constant 0 : index
    %get3A_1 = arith.constant 0 : index
    %get3A_2 = vector.load %arg1[%get3A, %get3A_0, %get3A_1] : memref<2x4000x64xf32, #tpu.memory_space<vmem>>, vector<1x4000x64xf32>
    %get3A_3 = vector.shape_cast %get3A_2 : vector<1x4000x64xf32> to vector<4000x64xf32>
    %get3A_4 = arith.constant 1 : index
    %get3A_5 = arith.constant 0 : index
    %get3A_6 = arith.constant 0 : index
    %get3A_7 = vector.load %arg1[%get3A_4, %get3A_5, %get3A_6] : memref<2x4000x64xf32, #tpu.memory_space<vmem>>, vector<1x4000x64xf32>
    %get3A_8 = vector.shape_cast %get3A_7 : vector<1x4000x64xf32> to vector<4000x64xf32>
    %concatenate3A = tpu.concatenate %get3A_3, %get3A_8 in 1 : vector<4000x64xf32>, vector<4000x64xf32> -> vector<4000x128xf32>
    %get3A_9 = arith.constant 0 : index
    %get3A_10 = arith.constant 0 : index
    %get3A_11 = vector.load %arg2[%get3A_9, %get3A_10] : memref<2x128xf32, #tpu.memory_space<vmem>>, vector<1x128xf32>
    %mul3A = vector.broadcast %get3A_11 : vector<1x128xf32> to vector<4000x128xf32>
    %mul3A_12 = arith.mulf %concatenate3A, %mul3A : vector<4000x128xf32>
    %get3A_13 = arith.constant 1 : index
    %get3A_14 = arith.constant 0 : index
    %get3A_15 = vector.load %arg2[%get3A_13, %get3A_14] : memref<2x128xf32, #tpu.memory_space<vmem>>, vector<1x128xf32>
    %add3A = vector.broadcast %get3A_15 : vector<1x128xf32> to vector<4000x128xf32>
    %add3A_16 = arith.addf %mul3A_12, %add3A : vector<4000x128xf32>
    %max3A = arith.constant 0.000000e+00 : f32
    %max3A_17 = vector.broadcast %max3A : f32 to vector<4000x128xf32>
    %max3A_18 = arith.maximumf %add3A_16, %max3A_17 : vector<4000x128xf32>
    %swap3A = arith.constant 0 : index
    %swap3A_19 = arith.constant 0 : index
    %swap3A_20 = vector.load %arg3[%swap3A, %swap3A_19] : memref<4000x128xf32, #tpu.memory_space<vmem>>, vector<4000x128xf32>
    tpu.vector_store %arg3[%swap3A, %swap3A_19], %max3A_18 {strides = array<i32>} : memref<4000x128xf32, #tpu.memory_space<vmem>>, vector<4000x128xf32>,
    return
  }
  func.func @transform_0(%arg0: i32) -> (i32, i32, i32) {
    %c0_i32 = arith.constant 0 : i32
    %c0_i32_0 = arith.constant 0 : i32
    %c0_i32_1 = arith.constant 0 : i32
    return %c0_i32, %arg0, %c0_i32_0 : i32, i32, i32
  }
  func.func @transform_1(%arg0: i32) -> (i32, i32) {
    %c0_i32 = arith.constant 0 : i32
    %c0_i32_0 = arith.constant 0 : i32
    %c0_i32_1 = arith.constant 0 : i32
    return %c0_i32, %c0_i32_0 : i32, i32
  }
  func.func @transform_2(%arg0: i32) -> (i32, i32) {
    %c0_i32 = arith.constant 0 : i32
    %c0_i32_0 = arith.constant 0 : i32
    return %arg0, %c0_i32 : i32, i32
  }
}

</mosaic_0001>

<sc_bundles>
// kernel: kernel.7.cloned.1.call-start
scs
__scs_entry_jumppad:
0x0: {  	(pc) =	sbr.rel $0x88, $3  }
0x1: {  	(tag) =	ssettag $0x0;
	lr =	simm.s32 $0x1  }
0x2: {  	[smem:$0x3F90] =	sst lr;
	_ =	strace $0xD0000000  }
0x3: {  	_ = 	snop  }
0x4: {  	_ = 	snop  }
0x5: {  	_ = 	snop  }
0x6: {  	_ = 	snop  }
0x7: {  	_ = 	snop  }
__scs_overlays_trampoline_lowered:
0x8: {  	[smem:$0x3F9F] =	sst s0  }
0x9: {  	[smem:$0x3FA0] =	sst s1  }
0xa: {  	[smem:$0x3FA1] =	sst s2  }
0xb: {  	[smem:$0x3FA2] =	sst s3  }
0xc: {  	[smem:$0x3FA3] =	sst s4  }
0xd: {  	[smem:$0x3FA4] =	sst s5  }
0xe: {  	[smem:$0x3FA5] =	sst s6  }
0xf: {  	[smem:$0x3FA6] =	sst s7  }
0x10: {  	[smem:$0x3FA7] =	sst s8  }
0x11: {  	[smem:$0x3FA8] =	sst s9;
	s0 =	simm.s32 @!p0 $0x0  }
0x12: {  	s1 =	sld [smem:$0x3F8E];
	s0 =	simm.s32 @p0 $0x1  }
0x13: {  	[smem:$0x3FA9] =	sst s0;
	s0 =	simm.s32 @!p1 $0x0  }
0x14: {  	s2 =	sld [smem:$0x3F8D];
	s0 =	simm.s32 @p1 $0x1  }
0x15: {  	[smem:$0x3FAA] =	sst s0;
	s0 =	simm.s32 @!p2 $0x0  }
0x16: {  	s3 =	sld [smem:$0x3FDB];
	s0 =	simm.s32 @p2 $0x1  }
0x17: {  	s4 =	simm.s32 $0x1BF5;
	[smem:$0x3FAC] =	sst s0  }
0x18: {  	s0 =	sld [smem:$0x3F8F];
	_ =	swait.ge [sflag:s4], $0x0  }
0x19: {  	s7 =	sld [smem:$0x3F90]  }
0x1a: {  	s8 =	sadd.s32 $0xFFFFE003, lr  }
0x1b: {  	s9 =	sadd.s32 $0xFFFFFEF7, lr;
	s5 =	simm.s32 $0xFFFFFFFF;
	p2 =	slt.u32 s8, $0xFFFFF086  }
0x1c: {  	p1 =	slt.u32 s9, $0xF7A;
	s5 =	simm.s32 @!p2 $0x0  }
0x1d: {  	s5 =	simm.s32 @p1 $0x1;
	p0 =	seq.s32 s7, s2  }
0x1e: {  	s7 =	smul.u32 @!p0 $0xF7A, s2;
	p2 =	seq.s32 @!p0 s5, $0x0  }
0x1f: {  	s9 =	smul.u32 $0xF7A, s1;
	s8 =	simm.s32 @!p0 $0x1BF5;
	p2 =	por !p2, p0  }
0x20: {  	[sflag:s8] =	ssyncset.s32 @!p0 $0xFFFFF086;
	s6 =	sadd.s32 @!p0 s3, s7;
	s7 =	simm.s32 @!p0 $0x108  }
0x21: {  	s3 =	sadd.s32 s3, s9;
	s6 =	sadd.s32 @!p0 $0x88, s6;
	s7 =	simm.s32 @p2 $0x1082  }
0x22: {  	[simem:s7], [sflag:s8] =	dma.local @!p0 [hbm:s6], $0xF7A  }
0x23: {  	s9 =	sor.u32 $0xD0000000, s2;
	s6 =	simm.s32 $0x108;
	_ =	swait.ge @!p0 [sflag:s8], $0x0  }
0x24: {  	s3 =	sadd.s32 $0x88, s3;
	s6 =	simm.s32 @!p1 $0x1082;
	[sflag:s4] =	ssyncset.s32 $0xFFFFF086  }
0x25: {  	[simem:s6], [sflag:s4] =	dma.local [hbm:s3], $0xF7A  }
0x26: {  	[smem:$0x3F90] =	sst s1;
	(tag) =	ssettag s2;
	_ =	strace s9  }
0x27: {  	s1 =	sld [smem:$0x3FA0]  }
0x28: {  	s2 =	sld [smem:$0x3FA1]  }
0x29: {  	s4 =	sld [smem:$0x3FA3]  }
0x2a: {  	p0 =	seq.s32 s5, $0x0;
	s5 =	sld [smem:$0x3FA4]  }
0x2b: {  	s6 =	sld [smem:$0x3FA5]  }
0x2c: {  	s7 =	sld [smem:$0x3FA6]  }
0x2d: {  	s3 =	simm.s32 $0x108;
	s8 =	sld [smem:$0x3FA7]  }
0x2e: {  	s3 =	simm.s32 @!p0 $0x1082;
	s9 =	sld [smem:$0x3FA8]  }
0x2f: {  	lr =	sadd.s32 s0, s3;
	s0 =	sld [smem:$0x3F9F]  }
0x30: {  	s3 =	sld [smem:$0x3FA2]  }
0x31: {  	[smem:$0x3FAB] =	sst s10  }
0x32: {  	s10 =	sld [smem:$0x3FA9];
	_ =	sdelay $0x3  }
0x33: {  	p0 =	seq.s32 s10, $0x1;
	s10 =	sld [smem:$0x3FAB];
	_ =	sdelay $0x3  }
0x34: {  	[smem:$0x3FAB] =	sst s10  }
0x35: {  	s10 =	sld [smem:$0x3FAA];
	_ =	sdelay $0x3  }
0x36: {  	p1 =	seq.s32 s10, $0x1;
	s10 =	sld [smem:$0x3FAB];
	_ =	sdelay $0x3  }
0x37: {  	[smem:$0x3FAB] =	sst s10  }
0x38: {  	s10 =	sld [smem:$0x3FAC]  }
0x39: {  	_ = 	snop;
	(pc) =	sbr.ind lr, $3  }
0x3a: {  	_ = 	snop  }
0x3b: {  	_ = 	snop  }
0x3c: {  	p2 =	seq.s32 s10, $0x1;
	s10 =	sld [smem:$0x3FAB]  }
0x3d: {  	_ =	shalt  }
0x3e: {  	_ =	shalt  }
0x3f: {  	_ =	shalt  }
0x40: {  	_ =	shalt  }
0x41: {  	_ =	shalt  }
0x42: {  	_ =	shalt  }
0x43: {  	_ =	shalt  }
0x44: {  	_ =	shalt  }
0x45: {  	_ =	shalt  }
0x46: {  	_ =	shalt  }
0x47: {  	_ =	shalt  }
0x48: {  	_ =	shalt  }
0x49: {  	_ =	shalt  }
0x4a: {  	_ =	shalt  }
0x4b: {  	_ =	shalt  }
0x4c: {  	_ =	shalt  }
0x4d: {  	_ =	shalt  }
0x4e: {  	_ =	shalt  }
0x4f: {  	_ =	shalt  }
0x50: {  	_ =	shalt  }
0x51: {  	_ =	shalt  }
0x52: {  	_ =	shalt  }
0x53: {  	_ =	shalt  }
0x54: {  	_ =	shalt  }
0x55: {  	_ =	shalt  }
0x56: {  	_ =	shalt  }
0x57: {  	_ =	shalt  }
0x58: {  	_ =	shalt  }
0x59: {  	_ =	shalt  }
0x5a: {  	_ =	shalt  }
0x5b: {  	_ =	shalt  }
0x5c: {  	_ =	shalt  }
0x5d: {  	_ =	shalt  }
0x5e: {  	_ =	shalt  }
0x5f: {  	_ =	shalt  }
0x60: {  	_ =	shalt  }
0x61: {  	_ =	shalt  }
0x62: {  	_ =	shalt  }
0x63: {  	_ =	shalt  }
0x64: {  	_ =	shalt  }
0x65: {  	_ =	shalt  }
0x66: {  	_ =	shalt  }
0x67: {  	_ =	shalt  }
0x68: {  	_ =	shalt  }
0x69: {  	_ =	shalt  }
0x6a: {  	_ =	shalt  }
0x6b: {  	_ =	shalt  }
0x6c: {  	_ =	shalt  }
0x6d: {  	_ =	shalt  }
0x6e: {  	_ =	shalt  }
0x6f: {  	_ =	shalt  }
0x70: {  	_ =	shalt  }
0x71: {  	_ =	shalt  }
0x72: {  	_ =	shalt  }
0x73: {  	_ =	shalt  }
0x74: {  	_ =	shalt  }
0x75: {  	_ =	shalt  }
0x76: {  	_ =	shalt  }
0x77: {  	_ =	shalt  }
0x78: {  	_ =	shalt  }
0x79: {  	_ =	shalt  }
0x7a: {  	_ =	shalt  }
0x7b: {  	_ =	shalt  }
0x7c: {  	_ =	shalt  }
0x7d: {  	_ =	shalt  }
0x7e: {  	_ =	shalt  }
0x7f: {  	_ =	shalt  }
0x80: {  	_ =	shalt  }
0x81: {  	_ =	shalt  }
0x82: {  	_ =	shalt  }
0x83: {  	_ =	shalt  }
0x84: {  	_ =	shalt  }
0x85: {  	_ =	shalt  }
0x86: {  	_ =	shalt  }
0x87: {  	_ =	shalt  }
.Lfunc_end0:
.L_simem_size_0:
called_computation_lowered:
.L_overlay_start_0:
0x88: {  	s2 =	sld [smem:$0x3FD9]  }
0x89: {  	s3 =	sld [smem:$0x3FFE];
	_ =	sdelay $0x1  }
0x8a: {  	s1 =	srdreg.scid  }
0x8b: {  	s0 =	sand.u32 $0x1, s1  }
0x8c: {  	s14 =	sshll.u32 s0, $0xA;
	s2 =	sadd.s32 s3, s2  }
0x8d: {  	s2 =	sadd.s32 s2, s14  }
0x8e: {  	[smem:$0x3FB7] =	sst s2  }
0x8f: {  	_ = 	snop  }
0x90: {  	s2 =	sld [smem:$0x3FD0];
	_ =	sdelay $0x2  }
0x91: {  	s15 =	simm.s32 $0xA;
	s4 =	simm.s32 $0x10  }
0x92: {  	[smem:s4], [sflag:s15] =	dma.local [hbm:s2], $0x1  }
0x93: {  	_ =	swait.eq [sflag:s15], $0x1  }
0x94: {  	[sflag:s15] =	ssyncset.done $0x0  }
0x95: {  	[sflag:s15] =	ssyncadd.s32 $0xFFFFFFFF  }
0x96: {  	s16 =	sld [smem:$0x11];
	(tm) =	ssettm $0x1  }
0x97: {  	s17 =	sld [smem:$0x3FFB];
	_ =	sdelay $0x3  }
0x98: {  	_ =	strace s17  }
0x99: {  	s3 =	sld [smem:$0x3FFC];
	_ =	sdelay $0x3  }
0x9a: {  	_ =	strace s3  }
0x9b: {  	s3 =	sld [smem:$0x3FFD];
	_ =	sdelay $0x3  }
0x9c: {  	_ =	strace s3  }
0x9d: {  	_ =	strace $0x8FFFFFFF  }
0x9e: {  	s18 =	sld [smem:$0x3FDB];
	_ =	sdelay $0x1  }
0x9f: {  	s19 =	simm.s32 $_scs_section_size  }
0xa0: {  	s5 =	simm.s32 $_size__tile_overlayer_lowered;
	s6 =	simm.s32 $_tile_overlayer_lowered  }
0xa1: {  	s22 =	simm.s32 $0x1BFF;
	s21 =	sshll.u32 s6, $0x1;
	s3 =	sadd.s32 s19, s18  }
0xa2: {  	s7 =	simm.s32 $0x0;
	s20 =	sshll.u32 s5, $0x1;
	s5 =	sadd.s32 s21, s3  }
0xa3: {  	[timem:s7], [sflag:s22] =	dma.local [hbm:s5], s20  }
0xa4: {  	_ =	swait.ge [sflag:s22], s20  }
0xa5: {  	s4 =	ssub.s32 $0x0, s20;
	[sflag:s22] =	ssyncset.done $0x0  }
0xa6: {  	[sflag:s22] =	ssyncadd.s32 s4;
	_ =	sdelay $0x1  }
0xa7: {  	s23 =	simm.s32 $0x1B8B  }
0xa8: {  	_ =	swait.ge [sflag:s23], $0x1  }
0xa9: {  	[sflag:s23] =	ssyncset.done $0x0  }
0xaa: {  	s25 =	simm.s32 $0x1B8E;
	s24 =	sld [smem:$0x3FFE];
	[sflag:s23] =	ssyncadd.s32 $0xFFFFFFFF  }
0xab: {  	s26 =	simm.s32 $execute0_lowered;
	[smem:$0x3FD2] =	sst s25  }
0xac: {  	s5 =	sshll.u32 s26, $0x1;
	_ =	strace $0x80000046;
	[dreg:$0x1] =	wrdreg $0xFFFFFFFF  }
0xad: {  	s28 =	simm.s32 $_size_execute0_lowered;
	s3 =	sadd.s32 s3, s5;
	[dreg:$0x0] =	wrdreg $0x0  }
0xae: {  	s5 =	sshll.u32 s28, $0x1;
	[dreg:$0x2] =	wrdreg s3  }
0xaf: {  	[dreg:$0x3] =	wrdreg s5  }
0xb0: {  	[dreg:$0x4] =	wrdreg $0xC0  }
0xb1: {  	_ =	task [dreg:s7], $0x5FFFF  }
0xb2: {  	[dreg:$0x1] =	wrdreg $0xFFFFFFFF  }
0xb3: {  	[dreg:$0x0] =	wrdreg $0x60  }
0xb4: {  	[dreg:$0x2] =	wrdreg s24  }
0xb5: {  	[dreg:$0x3] =	wrdreg s16  }
0xb6: {  	[dreg:$0x4] =	wrdreg $0xA9000  }
0xb7: {  	[dreg:$0x5] =	wrdreg $0x9  }
0xb8: {  	_ =	task.clear_ibuf [dreg:s7], $0x6FFFF;
	_ =	strace $0x90000046  }
0xb9: {  	s29 =	simm.s32 $0x9;
	_ =	strace $0x80000048  }
0xba: {  	_ =	swait.ge [sflag:s29], $0x1  }
0xbb: {  	[sflag:s29] =	ssyncadd.s32 $0xFFFFFFFF  }
0xbc: {  	_ =	strace $0x90000048  }
0xbd: {  	_ =	sfence  }
0xbe: {  	s30 =	sld [smem:$0x0];
	_ =	sdelay $0x2  }
0xbf: {  	s31 =	sshll.u32 s1, $0xD;
	s1 =	sshrl.u32 s1, $0x2  }
0xc0: {  	s3 =	sand.u32 $0x4000, s31;
	s1 =	sadd.s32 s1, s30  }
0xc1: {  	s0 =	sor.u32 s3, s0;
	s1 =	sshll.u32 s1, $0x11  }
0xc2: {  	s0 =	sor.u32 s1, s0  }
0xc3: {  	s0 =	sadd.s32 $0x8F2B, s0  }
0xc4: {  	[sflag:s0] =	ssyncadd.remote.s32 $0x1  }
0xc5: {  	_ =	sfence.sel $0xFFFF  }
0xc6: {  	[dreg:$0x0] =	wrdreg $0xFFFFFFFF;
	(pc) =	sbr.abs _section_cstart, $3  }
0xc7: {  	[dreg:$0x1] =	wrdreg $0xFFFFFFFF  }
0xc8: {  	_ =	task.clear_ibuf [dreg:s7], $0x2FFFF;
	_ =	strace $0x9FFFFFFF  }
0xc9: {  	(tm) =	ssettm $0x7FFFFFFF  }
tec
execute0_lowered:
.L_overlay_start_1:
0x0: {  	(tag) =	ssettag $0x1  }
0x1: {  	s1 =	srdreg.scid;
	s30 =	stileid.u32  }
0x2: {  	s0 =	rddreg [dreg:$0x0];
	s5 =	sand.u32 $0x1, s1;
	s26 =	smul.u32 $0x500, s30  }
0x3: {  	s3 =	rddreg [dreg:$0x1];
	s11 =	sor.u32 $0x20, s30;
	s4 =	smul.u32 $0x27100, s5  }
0x4: {  	s2 =	simm.s32 $0x0;
	s14 =	sor.u32 $0x30, s30;
	s15 =	smul.u32 $0x500, s11  }
0x5: {  	s31 =	simm.s32 $0x7900;
	s20 =	sor.u32 $0x40, s30;
	s16 =	smul.u32 $0x500, s14  }
0x6: {  	s1 =	rddreg [dreg:$0x2];
	s23 =	sor.u32 $0x50, s30;
	s17 =	smul.u32 $0x500, s20  }
0x7: {  	s13 =	sshll.u32 s30, $0x7;
	s24 =	sor.u32 $0x60, s30;
	s18 =	smul.u32 $0x500, s23  }
0x8: {  	s25 =	sor.u32 $0x70, s30;
	[smem:$0x7FF] =	sst s2;
	s19 =	smul.u32 $0x500, s24  }
0x9: {  	s6 =	ssub.s32 $0x2, s5;
	s8 =	sshll.u32 s5, $0xB;
	s22 =	smul.u32 $0x4E2000, s5  }
0xa: {  	p0 =	sgt.u32 s25, $0x7C;
	s5 =	sshll.u32 s5, $0x6;
	s14 =	smul.u32 $0xA000, s14  }
0xb: {  	s9 =	sshrl.u32 s6, $0x1;
	s8 =	sadd.s32 s8, s0;
	s7 =	sadd.s32 s4, s0  }
0xc: {  	s6 =	ssub.s32 s6, s9;
	s4 =	sadd.s32 s3, s4;
	s10 =	sadd.s32 $0xA4FA00, s8  }
0xd: {  	s3 =	sor.u32 $0x10, s30;
	s8 =	sadd.s32 $0xA50A00, s8;
	s10 =	sadd.s32 s13, s10  }
0xe: {  	s7 =	sadd.s32 $0xA01800, s7;
	s8 =	sadd.s32 s13, s8;
	[dreg:$0x4] =	wrdreg s10  }
0xf: {  	s12 =	smul.u32 $0x500, s3;
	[dreg:$0x5] =	wrdreg s8;
	s9 =	sadd.s32 s26, s7  }
0x10: {  	s3 =	smul.u32 $0xA000, s3;
	s15 =	sadd.s32 s15, s7;
	[dreg:$0x6] =	wrdreg s9  }
0x11: {  	s6 =	smax.u32 s6, $0x1;
	s16 =	sadd.s32 s16, s7;
	[dreg:$0x8] =	wrdreg s15  }
0x12: {  	s8 =	smul.u32 $0x500, s25;
	s17 =	sadd.s32 s17, s7;
	[dreg:$0x9] =	wrdreg s16  }
0x13: {  	s21 =	sadd.s32 s18, s7;
	s26 =	sadd.s32 s19, s7;
	[dreg:$0xa] =	wrdreg s17  }
0x14: {  	s10 =	sadd.s32 s22, s0;
	s13 =	sadd.s32 s12, s7;
	[dreg:$0xb] =	wrdreg s21  }
0x15: {  	[dreg:$0xc] =	wrdreg s26;
	s15 =	sadd.s32 $0x9DA600, s0;
	s12 =	smul.u32 $0xA000, s30  }
0x16: {  	s16 =	sadd.s32 $0xC800, s0;
	s17 =	sadd.s32 $0x2A00, s0;
	s26 =	smul.u32 $0xA000, s20  }
0x17: {  	s18 =	sadd.s32 $0x16600, s10;
	s19 =	sadd.s32 $0xA51A00, s10;
	s10 =	smul.u32 $0xA000, s24  }
0x18: {  	s9 =	sor.u32 $0x5100, s5;
	s22 =	sshrl.u32 s3, $0x2;
	s30 =	smul.u32 $0x4E20, s30  }
0x19: {  	s3 =	simm.s32 $0x80;
	[dreg:$0x7] =	wrdreg s13;
	s7 =	sadd.s32 @!p0 s8, s7  }
0x1a: {  	s13 =	smul.u32 $0xA000, s11;
	s22 =	sadd.s32 s22, s1;
	s8 =	sshrl.u32 s14, $0x2  }
0x1b: {  	v0 =	vmov s9;
	s9 =	simm.s32 $0x0;
	[dreg:$0xd] =	wrdreg s7;
	s0 =	sshrl.u32 s12, $0x2  }
0x1c: {  	s7 =	smul.u32 $0xA000, s23;
	s24 =	sadd.s32 s8, s1;
	s11 =	sshrl.u32 s26, $0x2  }
0x1d: {  	s12 =	smul.u32 $0xA000, s25;
	s14 =	sshrl.u32 s10, $0x2;
	s8 =	simm.s32 $0x5100  }
0x1e: {  	_ =	strace $0x80000047;
	[dreg:$0xe] =	wrdreg s6;
	s21 =	sadd.s32 s0, s1  }
0x1f: {  	s5 =	sshrl.u32 s13, $0x2;
	s25 =	sadd.s32 s11, s1;
	s28 =	sadd.s32 s14, s1  }
0x20: {  	s0 =	simm.s32 $0x1;
	s6 =	simm.s32 $0x50;
	s23 =	sadd.s32 s5, s1  }
0x21: {  	s13 =	sshrl.u32 s7, $0x2;
	s20 =	sshrl.u32 s12, $0x2;
	s5 =	simm.s32 $0x100  }
0x22: {  	v1 =	vimm.f32 $0.0e+00;
	s7 =	simm.s32 $0x2900;
	s26 =	sadd.s32 s13, s1;
	s29 =	sadd.s32 s20, s1  }
.LBB2_1:
0x23: {  	s10 =	simm.s32 $0x0;
	s11 =	simm.s32 $0x200  }
.LBB2_2:
0x24: {  	p1 =	sne.s32 s11, $0x9E00;
	[tilespmem:s10+$0x7970] =	vst v1  }
0x25: {  	[tilespmem:s10+$0x7900] =	vst v1  }
0x26: {  	[tilespmem:s10+$0x7910] =	vst v1  }
.Ltmp0:
0x27: {  	[tilespmem:s10+$0x7920] =	vst v1;
	(pc) =	sbr.rel @p1 .LBB2_2-.Ltmp0, $4  }
0x28: {  	[tilespmem:s10+$0x7930] =	vst v1  }
0x29: {  	[tilespmem:s10+$0x7940] =	vst v1  }
0x2a: {  	[tilespmem:s10+$0x7950] =	vst v1  }
0x2b: {  	[tilespmem:s10+$0x7960] =	vst v1;
	s10 =	sshra.s32 s11, $0x2;
	s11 =	sadd.s32 $0x200, s11  }
0x2c: {  	[tilespmem:s10+$0x7970] =	vst v1  }
0x2d: {  	[tilespmem:s10+$0x7900] =	vst v1  }
0x2e: {  	[tilespmem:s10+$0x7910] =	vst v1  }
0x2f: {  	[tilespmem:s10+$0x7920] =	vst v1  }
0x30: {  	[tilespmem:s10+$0x7930] =	vst v1  }
0x31: {  	[tilespmem:s10+$0x7940] =	vst v1  }
0x32: {  	[tilespmem:s10+$0x7950] =	vst v1  }
0x33: {  	[tilespmem:s10+$0x7960] =	vst v1  }
0x34: {  	[tilespmem:$0xA100] =	vst v1  }
0x35: {  	[tilespmem:$0xA110] =	vst v1  }
0x36: {  	[tilespmem:$0xA120] =	vst v1  }
0x37: {  	[tilespmem:$0xA130] =	vst v1  }
0x38: {  	[tilespmem:$0xA180] =	vst v1  }
0x39: {  	[tilespmem:$0xA190] =	vst v1  }
0x3a: {  	[tilespmem:$0xA1A0] =	vst v1  }
0x3b: {  	[tilespmem:$0xA1B0] =	vst v1  }
0x3c: {  	[tilespmem:$0xA200] =	vst v1  }
0x3d: {  	[tilespmem:$0xA210] =	vst v1  }
0x3e: {  	[tilespmem:$0xA220] =	vst v1  }
0x3f: {  	[tilespmem:$0xA230] =	vst v1  }
0x40: {  	[tilespmem:$0xA280] =	vst v1  }
0x41: {  	[tilespmem:$0xA290] =	vst v1  }
0x42: {  	[tilespmem:$0xA2A0] =	vst v1  }
0x43: {  	[tilespmem:$0xA2B0] =	vst v1  }
0x44: {  	[tilespmem:$0xA300] =	vst v1  }
0x45: {  	[tilespmem:$0xA310] =	vst v1  }
0x46: {  	[tilespmem:$0xA320] =	vst v1  }
0x47: {  	[tilespmem:$0xA330] =	vst v1  }
0x48: {  	[tilespmem:$0xA380] =	vst v1  }
0x49: {  	[tilespmem:$0xA390] =	vst v1  }
0x4a: {  	[tilespmem:$0xA3A0] =	vst v1  }
0x4b: {  	[tilespmem:$0xA3B0] =	vst v1  }
0x4c: {  	[tilespmem:$0xA400] =	vst v1  }
0x4d: {  	[tilespmem:$0xA410] =	vst v1  }
0x4e: {  	[tilespmem:$0xA420] =	vst v1  }
0x4f: {  	[tilespmem:$0xA430] =	vst v1  }
0x50: {  	[tilespmem:$0xA480] =	vst v1  }
0x51: {  	[tilespmem:$0xA490] =	vst v1  }
0x52: {  	[tilespmem:$0xA4A0] =	vst v1  }
0x53: {  	[tilespmem:$0xA4B0] =	vst v1  }
0x54: {  	[tilespmem:$0xA500] =	vst v1  }
0x55: {  	[tilespmem:$0xA510] =	vst v1  }
0x56: {  	[tilespmem:$0xA520] =	vst v1  }
0x57: {  	[tilespmem:$0xA530] =	vst v1  }
0x58: {  	[tilespmem:$0xA580] =	vst v1  }
0x59: {  	[tilespmem:$0xA590] =	vst v1  }
0x5a: {  	[tilespmem:$0xA5A0] =	vst v1  }
0x5b: {  	[tilespmem:$0xA5B0] =	vst v1  }
0x5c: {  	[tilespmem:$0xA600] =	vst v1  }
0x5d: {  	[tilespmem:$0xA610] =	vst v1  }
0x5e: {  	[tilespmem:$0xA620] =	vst v1  }
0x5f: {  	[tilespmem:$0xA630] =	vst v1  }
0x60: {  	[tilespmem:$0xA680] =	vst v1  }
0x61: {  	[tilespmem:$0xA690] =	vst v1  }
0x62: {  	[tilespmem:$0xA6A0] =	vst v1  }
0x63: {  	[tilespmem:$0xA6B0] =	vst v1  }
0x64: {  	[tilespmem:$0xA700] =	vst v1  }
0x65: {  	[tilespmem:$0xA710] =	vst v1  }
0x66: {  	[tilespmem:$0xA720] =	vst v1  }
0x67: {  	[tilespmem:$0xA730] =	vst v1  }
0x68: {  	[tilespmem:$0xA780] =	vst v1  }
0x69: {  	[tilespmem:$0xA790] =	vst v1  }
0x6a: {  	[tilespmem:$0xA7A0] =	vst v1  }
0x6b: {  	[tilespmem:$0xA7B0] =	vst v1  }
0x6c: {  	[tilespmem:$0xA800] =	vst v1  }
0x6d: {  	[tilespmem:$0xA810] =	vst v1  }
0x6e: {  	[tilespmem:$0xA820] =	vst v1  }
0x6f: {  	[tilespmem:$0xA830] =	vst v1  }
0x70: {  	[tilespmem:$0xA880] =	vst v1  }
0x71: {  	[tilespmem:$0xA890] =	vst v1  }
0x72: {  	[tilespmem:$0xA8A0] =	vst v1  }
0x73: {  	[tilespmem:$0xA8B0] =	vst v1  }
0x74: {  	[spmem:s21] =	stream.linear.scatter [tilespmem:s31], [sflag:$0x1], $0x2800, $0x38;
	[tilespmem:$0x1E180] =	vst v63  }
0x75: {  	_ =	swait.ge [sflag:s0], $0x2800  }
0x76: {  	[sflag:s0] =	ssyncset.done $0x0  }
0x77: {  	[sflag:s0] =	ssyncadd.s32 $0xFFFFD800  }
0x78: {  	[spmem:s22] =	stream.linear.scatter [tilespmem:s31], [sflag:$0x1], $0x2800, $0x38;
	[tilespmem:$0x1E180] =	vst v63  }
0x79: {  	_ =	swait.ge [sflag:s0], $0x2800  }
0x7a: {  	[sflag:s0] =	ssyncset.done $0x0  }
0x7b: {  	[sflag:s0] =	ssyncadd.s32 $0xFFFFD800  }
0x7c: {  	[spmem:s23] =	stream.linear.scatter [tilespmem:s31], [sflag:$0x1], $0x2800, $0x38;
	[tilespmem:$0x1E180] =	vst v63  }
0x7d: {  	_ =	swait.ge [sflag:s0], $0x2800  }
0x7e: {  	[sflag:s0] =	ssyncset.done $0x0  }
0x7f: {  	[sflag:s0] =	ssyncadd.s32 $0xFFFFD800  }
0x80: {  	[spmem:s24] =	stream.linear.scatter [tilespmem:s31], [sflag:$0x1], $0x2800, $0x38;
	[tilespmem:$0x1E180] =	vst v63  }
0x81: {  	_ =	swait.ge [sflag:s0], $0x2800  }
0x82: {  	[sflag:s0] =	ssyncset.done $0x0  }
0x83: {  	[sflag:s0] =	ssyncadd.s32 $0xFFFFD800  }
0x84: {  	[spmem:s25] =	stream.linear.scatter [tilespmem:s31], [sflag:$0x1], $0x2800, $0x38;
	[tilespmem:$0x1E180] =	vst v63  }
0x85: {  	_ =	swait.ge [sflag:s0], $0x2800  }
0x86: {  	[sflag:s0] =	ssyncset.done $0x0  }
0x87: {  	[sflag:s0] =	ssyncadd.s32 $0xFFFFD800  }
0x88: {  	[spmem:s26] =	stream.linear.scatter [tilespmem:s31], [sflag:$0x1], $0x2800, $0x38;
	[tilespmem:$0x1E180] =	vst v63  }
0x89: {  	_ =	swait.ge [sflag:s0], $0x2800  }
0x8a: {  	[sflag:s0] =	ssyncset.done $0x0  }
0x8b: {  	[sflag:s0] =	ssyncadd.s32 $0xFFFFD800  }
0x8c: {  	[spmem:s28] =	stream.linear.scatter [tilespmem:s31], [sflag:$0x1], $0x2800, $0x38;
	[tilespmem:$0x1E180] =	vst v63  }
0x8d: {  	_ =	swait.ge [sflag:s0], $0x2800  }
0x8e: {  	[sflag:s0] =	ssyncset.done $0x0  }
0x8f: {  	s10 =	simm.s32 @!p0 $0x7900;
	[sflag:s0] =	ssyncadd.s32 $0xFFFFD800  }
0x90: {  	[spmem:s29] =	stream.linear.scatter @!p0 [tilespmem:s10], [sflag:$0x1], $0x2800, $0x38;
	[tilespmem:$0x1E180] =	vst v63  }
0x91: {  	s10 =	simm.s32 @!p0 $0x1  }
0x92: {  	_ =	swait.ge @!p0 [sflag:s10], $0x2800  }
0x93: {  	[sflag:s10] =	ssyncset.done @!p0 $0x0  }
0x94: {  	[sflag:s10] =	ssyncadd.s32 @!p0 $0xFFFFD800  }
0x95: {  	s11 =	simm.s32 $0x0;
	s10 =	simm.s32 $0x0;
	[bflag:$0x0] =	sbarrier.arrive $0xFFFF  }
.LBB2_4:
0x96: {  	s12 =	smul.u32 $0x50, s11;
	_ =	sdelay $0x1  }
0x97: {  	s12 =	sadd.s32 s30, s12  }
0x98: {  	s13 =	sshrl.u32 s12, $0x3  }
0x99: {  	s14 =	sadd.s32 s16, s13  }
0x9a: {  	[tilespmem:s10], [sflag:$0x1] =	stream.linear.gather [hbm4b:s14+s10], $0x50, $0x38;
	[tilespmem:$0x1E180] =	vst v63  }
0x9b: {  	_ =	swait.ge [sflag:s0], $0x50  }
0x9c: {  	[sflag:s0] =	ssyncset.done $0x0  }
0x9d: {  	s13 =	sadd.s32 s17, s13;
	[sflag:s0] =	ssyncadd.s32 $0xFFFFFFB0  }
0x9e: {  	[tilespmem:s3], [sflag:$0x1] =	stream.linear.gather [hbm4b:s13+s10], $0x50, $0x38;
	[tilespmem:$0x1E180] =	vst v63  }
0x9f: {  	_ =	swait.ge [sflag:s0], $0x50  }
0xa0: {  	s12 =	sshll.u32 s12, $0x4;
	[sflag:s0] =	ssyncset.done $0x0  }
0xa1: {  	s20 =	sadd.s32 s12, s18;
	[sflag:s0] =	ssyncadd.s32 $0xFFFFFFB0  }
0xa2: {  	[tilespmem:s5], [sflag:$0x1] =	stream.linear.gather [hbm4b:s20+s10], $0x2800, $0x38;
	[tilespmem:$0x1E180] =	vst v63  }
0xa3: {  	_ =	swait.ge [sflag:s0], $0x2800  }
0xa4: {  	[sflag:s0] =	ssyncset.done $0x0  }
0xa5: {  	[sflag:s0] =	ssyncadd.s32 $0xFFFFD800  }
0xa6: {  	[tilespmem:s7], [sflag:$0x1] =	stream.indirect.gather [hbm4b:s4+s6], $0x80, s10, s6, $0xb8;
	[tilespmem:$0x1E180] =	vst v63  }
0xa7: {  	_ =	swait.ge [sflag:s0], $0x2800  }
0xa8: {  	[sflag:s0] =	ssyncset.done $0x0  }
0xa9: {  	[sflag:s0] =	ssyncadd.s32 $0xFFFFD800  }
0xaa: {  	[tilespmem:s8], [sflag:$0x1] =	stream.indirect.gather [hbm4b:s15+s6], $0x80, s3, s6, $0xb8;
	[tilespmem:$0x1E180] =	vst v63  }
0xab: {  	_ =	swait.ge [sflag:s0], $0x2800  }
0xac: {  	[sflag:s0] =	ssyncset.done $0x0  }
0xad: {  	s13 =	simm.s32 $0x0;
	[sflag:s0] =	ssyncadd.s32 $0xFFFFD800  }
0xae: {  	v2 =	vld [tilespmem:s13+$0x2900]  }
0xaf: {  	v3 =	vld [tilespmem:s13+$0x100];
	_ =	sdelay $0x1  }
0xb0: {  	v4 =	vld.idx.msk [tilespmem:v0+s13+$0x0 ss:$0x1], $0xffff;
	_ =	sdelay $0x2  }
0xb1: {  	v2 =	vadd.f32 v2, v3;
	_ =	sdelay $0x1  }
0xb2: {  	v2 =	vadd.f32 v4, v2;
	_ =	sdelay $0x1  }
0xb3: {  	v3 =	vsub.f32 $0.0e+00, v2;
	_ =	sdelay $0x1  }
0xb4: {  	v3 =	vmul.f32 $1.442695020e+00, v3;
	_ =	sdelay $0x1  }
0xb5: {  	(erf) = vpow2.f32 v3;
	_ =	sdelay $0x8  }
0xb6: {  	v5 =	vpop (erf)  }
0xb7: {  	v5 =	vadd.f32 $1.000000000e+00, v5;
	_ =	sdelay $0x1  }
0xb8: {  	(erf) = vrcp.f32 v5;
	_ =	sdelay $0x1  }
0xb9: {  	v6 =	vld [tilespmem:$0xA120]  }
0xba: {  	v10 =	vld [tilespmem:$0xA130]  }
0xbb: {  	v7 =	vld [tilespmem:$0xA500]  }
0xbc: {  	v8 =	vld [tilespmem:s13+$0x2940]  }
0xbd: {  	v11 =	vld [tilespmem:$0xA520]  }
0xbe: {  	v12 =	vld [tilespmem:$0xA530]  }
0xbf: {  	v4 =	vld [tilespmem:$0xA110]  }
0xc0: {  	v3 =	vld [tilespmem:$0xA100];
	v9 =	vpop (erf)  }
0xc1: {  	v5 =	vld [tilespmem:$0xA510];
	v8 =	vmul.f32 v9, v8  }
0xc2: {  	[tilespmem:s13+$0x7940] =	vst v9;
	v9 =	vld [tilespmem:s13+$0x2910]  }
0xc3: {  	[tilespmem:s13+$0x7900] =	vst v8;
	v8 =	vld [tilespmem:s13+$0x110]  }
0xc4: {  	[tilespmem:s13+$0x100] =	vst v2  }
0xc5: {  	v13 =	vld.idx.msk [tilespmem:v0+s13+$0x10 ss:$0x1], $0xffff;
	_ =	sdelay $0x2  }
0xc6: {  	v8 =	vadd.f32 v9, v8;
	_ =	sdelay $0x1  }
0xc7: {  	v13 =	vadd.f32 v13, v8;
	_ =	sdelay $0x1  }
0xc8: {  	v8 =	vsub.f32 $0.0e+00, v13;
	_ =	sdelay $0x1  }
0xc9: {  	v8 =	vmul.f32 $1.442695020e+00, v8;
	_ =	sdelay $0x1  }
0xca: {  	(erf) = vpow2.f32 v8;
	_ =	sdelay $0x8  }
0xcb: {  	v8 =	vpop (erf)  }
0xcc: {  	v8 =	vadd.f32 $1.000000000e+00, v8;
	_ =	sdelay $0x1  }
0xcd: {  	(erf) = vrcp.f32 v8;
	_ =	sdelay $0x4  }
0xce: {  	v8 =	vld [tilespmem:s13+$0x2950];
	_ =	sdelay $0x3  }
0xcf: {  	v9 =	vpop (erf)  }
0xd0: {  	v8 =	vmul.f32 v9, v8  }
0xd1: {  	[tilespmem:s13+$0x7950] =	vst v9;
	v9 =	vld [tilespmem:s13+$0x2920]  }
0xd2: {  	[tilespmem:s13+$0x7910] =	vst v8;
	v8 =	vld [tilespmem:s13+$0x120]  }
0xd3: {  	[tilespmem:s13+$0x110] =	vst v13  }
0xd4: {  	v14 =	vld.idx.msk [tilespmem:v0+s13+$0x20 ss:$0x1], $0xffff;
	_ =	sdelay $0x2  }
0xd5: {  	v8 =	vadd.f32 v9, v8;
	_ =	sdelay $0x1  }
0xd6: {  	v14 =	vadd.f32 v14, v8;
	_ =	sdelay $0x1  }
0xd7: {  	v8 =	vsub.f32 $0.0e+00, v14;
	_ =	sdelay $0x1  }
0xd8: {  	v8 =	vmul.f32 $1.442695020e+00, v8;
	_ =	sdelay $0x1  }
0xd9: {  	(erf) = vpow2.f32 v8;
	_ =	sdelay $0x8  }
0xda: {  	v8 =	vpop (erf)  }
0xdb: {  	v8 =	vadd.f32 $1.000000000e+00, v8;
	_ =	sdelay $0x1  }
0xdc: {  	(erf) = vrcp.f32 v8;
	_ =	sdelay $0x4  }
0xdd: {  	v8 =	vld [tilespmem:s13+$0x2960];
	_ =	sdelay $0x3  }
0xde: {  	v9 =	vpop (erf)  }
0xdf: {  	v8 =	vmul.f32 v9, v8  }
0xe0: {  	[tilespmem:s13+$0x7960] =	vst v9;
	v9 =	vld [tilespmem:s13+$0x2930]  }
0xe1: {  	[tilespmem:s13+$0x7920] =	vst v8;
	v8 =	vld [tilespmem:s13+$0x130]  }
0xe2: {  	[tilespmem:s13+$0x120] =	vst v14  }
0xe3: {  	v15 =	vld.idx.msk [tilespmem:v0+s13+$0x30 ss:$0x1], $0xffff;
	_ =	sdelay $0x2  }
0xe4: {  	v8 =	vadd.f32 v9, v8;
	_ =	sdelay $0x1  }
0xe5: {  	v15 =	vadd.f32 v15, v8;
	_ =	sdelay $0x1  }
0xe6: {  	v8 =	vsub.f32 $0.0e+00, v15;
	_ =	sdelay $0x1  }
0xe7: {  	v8 =	vmul.f32 $1.442695020e+00, v8;
	_ =	sdelay $0x1  }
0xe8: {  	(erf) = vpow2.f32 v8;
	_ =	sdelay $0x8  }
0xe9: {  	v8 =	vpop (erf)  }
0xea: {  	v8 =	vadd.f32 $1.000000000e+00, v8;
	_ =	sdelay $0x1  }
0xeb: {  	(erf) = vrcp.f32 v8;
	_ =	sdelay $0x4  }
0xec: {  	v16 =	vld [tilespmem:s13+$0x2970]  }
0xed: {  	v17 =	vmul.f32 v13, v13  }
0xee: {  	v8 =	vmul.f32 v2, v2  }
0xef: {  	v5 =	vadd.f32 v17, v5;
	v9 =	vadd.f32 v2, v3;
	v2 =	vmul.f32 v14, v14  }
0xf0: {  	v6 =	vadd.f32 v14, v6;
	[tilespmem:s13+$0x130] =	vst v15;
	v62 =	vmul.f32 v15, v15;
	v8 =	vadd.f32 v8, v7;
	v63 =	vpop (erf)  }
0xf1: {  	s20 =	simm.s32 $0x80;
	v7 =	vadd.f32 v13, v4;
	v3 =	vadd.f32 v2, v11;
	[tilespmem:s13+$0x7970] =	vst v63;
	v11 =	vmul.f32 v63, v16  }
0xf2: {  	s14 =	simm.s32 $0x400;
	v4 =	vadd.f32 v15, v10;
	v2 =	vadd.f32 v62, v12;
	v10 =	vld [tilespmem:s20+$0x2900]  }
.LBB2_5:
0xf3: {  	p1 =	sne.s32 s14, $0x9E00;
	v12 =	vld [tilespmem:s20+$0x100];
	[tilespmem:s13+$0x7930] =	vst v11;
	s13 =	smov.u32 s20  }
0xf4: {  	v11 =	vld.idx.msk [tilespmem:v0+s13+$0x0 ss:$0x1], $0xffff;
	_ =	sdelay $0x3  }
0xf5: {  	v10 =	vadd.f32 v10, v12;
	_ =	sdelay $0x1  }
0xf6: {  	v10 =	vadd.f32 v11, v10;
	_ =	sdelay $0x1  }
0xf7: {  	[tilespmem:s13+$0x100] =	vst v10;
	v11 =	vsub.f32 $0.0e+00, v10;
	v9 =	vadd.f32 v10, v9;
	v10 =	vmul.f32 v10, v10;
	_ =	sdelay $0x1  }
0xf8: {  	v11 =	vmul.f32 $1.442695020e+00, v11;
	v8 =	vadd.f32 v10, v8;
	_ =	sdelay $0x1  }
0xf9: {  	(erf) = vpow2.f32 v11;
	_ =	sdelay $0x8  }
0xfa: {  	v10 =	vpop (erf)  }
0xfb: {  	v10 =	vadd.f32 $1.000000000e+00, v10;
	_ =	sdelay $0x1  }
0xfc: {  	(erf) = vrcp.f32 v10;
	_ =	sdelay $0x4  }
0xfd: {  	v10 =	vld [tilespmem:s13+$0x2940];
	_ =	sdelay $0x3  }
0xfe: {  	v11 =	vpop (erf)  }
0xff: {  	[tilespmem:s13+$0x7940] =	vst v11;
	v10 =	vmul.f32 v11, v10  }
0x100: {  	v11 =	vld [tilespmem:s13+$0x2910]  }
0x101: {  	[tilespmem:s13+$0x7900] =	vst v10;
	v10 =	vld [tilespmem:s13+$0x110]  }
0x102: {  	v12 =	vld.idx.msk [tilespmem:v0+s13+$0x10 ss:$0x1], $0xffff;
	_ =	sdelay $0x3  }
0x103: {  	v10 =	vadd.f32 v11, v10;
	_ =	sdelay $0x1  }
0x104: {  	v10 =	vadd.f32 v12, v10;
	_ =	sdelay $0x1  }
0x105: {  	v11 =	vsub.f32 $0.0e+00, v10;
	v7 =	vadd.f32 v10, v7;
	v12 =	vmul.f32 v10, v10;
	_ =	sdelay $0x1  }
0x106: {  	v11 =	vmul.f32 $1.442695020e+00, v11;
	v5 =	vadd.f32 v12, v5;
	_ =	sdelay $0x1  }
0x107: {  	(erf) = vpow2.f32 v11;
	_ =	sdelay $0x8  }
0x108: {  	v11 =	vpop (erf)  }
0x109: {  	v11 =	vadd.f32 $1.000000000e+00, v11;
	_ =	sdelay $0x1  }
0x10a: {  	(erf) = vrcp.f32 v11;
	_ =	sdelay $0x4  }
0x10b: {  	v11 =	vld [tilespmem:s13+$0x2950];
	_ =	sdelay $0x3  }
0x10c: {  	v12 =	vpop (erf)  }
0x10d: {  	[tilespmem:s13+$0x7950] =	vst v12;
	v11 =	vmul.f32 v12, v11  }
0x10e: {  	[tilespmem:s13+$0x110] =	vst v10;
	v10 =	vld [tilespmem:s13+$0x2920]  }
0x10f: {  	[tilespmem:s13+$0x7910] =	vst v11;
	v11 =	vld [tilespmem:s13+$0x120]  }
0x110: {  	v12 =	vld.idx.msk [tilespmem:v0+s13+$0x20 ss:$0x1], $0xffff;
	_ =	sdelay $0x3  }
0x111: {  	v10 =	vadd.f32 v10, v11;
	_ =	sdelay $0x1  }
0x112: {  	v10 =	vadd.f32 v12, v10;
	_ =	sdelay $0x1  }
0x113: {  	v11 =	vsub.f32 $0.0e+00, v10;
	v6 =	vadd.f32 v10, v6;
	v12 =	vmul.f32 v10, v10;
	_ =	sdelay $0x1  }
0x114: {  	v11 =	vmul.f32 $1.442695020e+00, v11;
	v3 =	vadd.f32 v12, v3;
	_ =	sdelay $0x1  }
0x115: {  	(erf) = vpow2.f32 v11;
	_ =	sdelay $0x8  }
0x116: {  	v11 =	vpop (erf)  }
0x117: {  	v11 =	vadd.f32 $1.000000000e+00, v11;
	_ =	sdelay $0x1  }
0x118: {  	(erf) = vrcp.f32 v11;
	_ =	sdelay $0x4  }
0x119: {  	v11 =	vld [tilespmem:s13+$0x2960];
	_ =	sdelay $0x3  }
0x11a: {  	v12 =	vpop (erf)  }
0x11b: {  	[tilespmem:s13+$0x7960] =	vst v12;
	v11 =	vmul.f32 v12, v11  }
0x11c: {  	[tilespmem:s13+$0x120] =	vst v10;
	v10 =	vld [tilespmem:s13+$0x2930]  }
0x11d: {  	[tilespmem:s13+$0x7920] =	vst v11;
	v11 =	vld [tilespmem:s13+$0x130]  }
0x11e: {  	v12 =	vld.idx.msk [tilespmem:v0+s13+$0x30 ss:$0x1], $0xffff;
	_ =	sdelay $0x3  }
0x11f: {  	v10 =	vadd.f32 v10, v11;
	_ =	sdelay $0x1  }
0x120: {  	v10 =	vadd.f32 v12, v10;
	_ =	sdelay $0x1  }
0x121: {  	[tilespmem:s13+$0x130] =	vst v10;
	v11 =	vsub.f32 $0.0e+00, v10;
	v4 =	vadd.f32 v10, v4;
	v10 =	vmul.f32 v10, v10;
	_ =	sdelay $0x1  }
0x122: {  	v11 =	vmul.f32 $1.442695020e+00, v11;
	v2 =	vadd.f32 v10, v2;
	_ =	sdelay $0x1  }
0x123: {  	(erf) = vpow2.f32 v11;
	_ =	sdelay $0x8  }
0x124: {  	v10 =	vpop (erf)  }
0x125: {  	v10 =	vadd.f32 $1.000000000e+00, v10;
	_ =	sdelay $0x1  }
0x126: {  	(erf) = vrcp.f32 v10;
	_ =	sdelay $0x4  }
0x127: {  	v10 =	vld [tilespmem:s13+$0x2970];
	_ =	sdelay $0x1  }
.Ltmp1:
0x128: {  	(pc) =	sbr.rel @p1 .LBB2_5-.Ltmp1, $4  }
0x129: {  	_ = 	snop  }
0x12a: {  	v11 =	vpop (erf)  }
0x12b: {  	s20 =	sshra.s32 s14, $0x2;
	[tilespmem:s13+$0x7970] =	vst v11;
	v11 =	vmul.f32 v11, v10  }
0x12c: {  	s14 =	sadd.s32 $0x200, s14;
	v10 =	vld [tilespmem:s20+$0x2900]  }
0x12d: {  	_ =	sdelay $0x1  }
0x12e: {  	v12 =	vld [tilespmem:s20+$0x100]  }
0x12f: {  	[tilespmem:s13+$0x7930] =	vst v11  }
0x130: {  	v11 =	vld.idx.msk [tilespmem:v0+s20+$0x0 ss:$0x1], $0xffff;
	_ =	sdelay $0x2  }
0x131: {  	v10 =	vadd.f32 v10, v12;
	_ =	sdelay $0x1  }
0x132: {  	v10 =	vadd.f32 v11, v10;
	_ =	sdelay $0x1  }
0x133: {  	v11 =	vsub.f32 $0.0e+00, v10;
	_ =	sdelay $0x1  }
0x134: {  	v11 =	vmul.f32 $1.442695020e+00, v11;
	_ =	sdelay $0x1  }
0x135: {  	(erf) = vpow2.f32 v11;
	_ =	sdelay $0x8  }
0x136: {  	v11 =	vpop (erf)  }
0x137: {  	v11 =	vadd.f32 $1.000000000e+00, v11;
	_ =	sdelay $0x1  }
0x138: {  	(erf) = vrcp.f32 v11;
	_ =	sdelay $0x4  }
0x139: {  	v44 =	vld [tilespmem:s20+$0x2940];
	_ =	sdelay $0x3  }
0x13a: {  	v45 =	vpop (erf)  }
0x13b: {  	v46 =	vld [tilespmem:s20+$0x2910];
	[tilespmem:s20+$0x100] =	vst v10;
	v11 =	vmul.f32 v45, v44  }
0x13c: {  	v47 =	vld [tilespmem:s20+$0x110];
	[tilespmem:s20+$0x7940] =	vst v45  }
0x13d: {  	[tilespmem:s20+$0x7900] =	vst v11  }
0x13e: {  	v13 =	vld.idx.msk [tilespmem:v0+s20+$0x10 ss:$0x1], $0xffff;
	_ =	sdelay $0x2  }
0x13f: {  	v11 =	vadd.f32 v46, v47;
	_ =	sdelay $0x1  }
0x140: {  	v11 =	vadd.f32 v13, v11;
	_ =	sdelay $0x1  }
0x141: {  	v48 =	vsub.f32 $0.0e+00, v11;
	_ =	sdelay $0x1  }
0x142: {  	v12 =	vmul.f32 $1.442695020e+00, v48;
	_ =	sdelay $0x1  }
0x143: {  	(erf) = vpow2.f32 v12;
	_ =	sdelay $0x8  }
0x144: {  	v12 =	vpop (erf)  }
0x145: {  	v12 =	vadd.f32 $1.000000000e+00, v12;
	_ =	sdelay $0x1  }
0x146: {  	(erf) = vrcp.f32 v12;
	_ =	sdelay $0x4  }
0x147: {  	v49 =	vld [tilespmem:s20+$0x2950];
	_ =	sdelay $0x3  }
0x148: {  	v50 =	vpop (erf)  }
0x149: {  	v51 =	vld [tilespmem:s20+$0x2920];
	[tilespmem:s20+$0x110] =	vst v11;
	v12 =	vmul.f32 v50, v49  }
0x14a: {  	v52 =	vld [tilespmem:s20+$0x120];
	[tilespmem:s20+$0x7950] =	vst v50  }
0x14b: {  	[tilespmem:s20+$0x7910] =	vst v12  }
0x14c: {  	v14 =	vld.idx.msk [tilespmem:v0+s20+$0x20 ss:$0x1], $0xffff;
	_ =	sdelay $0x2  }
0x14d: {  	v12 =	vadd.f32 v51, v52;
	_ =	sdelay $0x1  }
0x14e: {  	v12 =	vadd.f32 v14, v12;
	_ =	sdelay $0x1  }
0x14f: {  	v53 =	vsub.f32 $0.0e+00, v12;
	_ =	sdelay $0x1  }
0x150: {  	v13 =	vmul.f32 $1.442695020e+00, v53;
	_ =	sdelay $0x1  }
0x151: {  	(erf) = vpow2.f32 v13;
	_ =	sdelay $0x8  }
0x152: {  	v13 =	vpop (erf)  }
0x153: {  	v13 =	vadd.f32 $1.000000000e+00, v13;
	_ =	sdelay $0x1  }
0x154: {  	(erf) = vrcp.f32 v13;
	_ =	sdelay $0x4  }
0x155: {  	v54 =	vld [tilespmem:s20+$0x2960];
	_ =	sdelay $0x3  }
0x156: {  	v55 =	vpop (erf)  }
0x157: {  	v56 =	vld [tilespmem:s20+$0x2930];
	[tilespmem:s20+$0x120] =	vst v12;
	v13 =	vmul.f32 v55, v54  }
0x158: {  	v57 =	vld [tilespmem:s20+$0x130];
	[tilespmem:s20+$0x7960] =	vst v55  }
0x159: {  	[tilespmem:s20+$0x7920] =	vst v13  }
0x15a: {  	v15 =	vld.idx.msk [tilespmem:v0+s20+$0x30 ss:$0x1], $0xffff;
	_ =	sdelay $0x2  }
0x15b: {  	v13 =	vadd.f32 v56, v57;
	_ =	sdelay $0x1  }
0x15c: {  	v13 =	vadd.f32 v15, v13;
	_ =	sdelay $0x1  }
0x15d: {  	v58 =	vsub.f32 $0.0e+00, v13;
	_ =	sdelay $0x1  }
0x15e: {  	v14 =	vmul.f32 $1.442695020e+00, v58;
	_ =	sdelay $0x1  }
0x15f: {  	(erf) = vpow2.f32 v14;
	_ =	sdelay $0x8  }
0x160: {  	v14 =	vpop (erf)  }
0x161: {  	v14 =	vadd.f32 $1.000000000e+00, v14;
	_ =	sdelay $0x1  }
0x162: {  	(erf) = vrcp.f32 v14;
	_ =	sdelay $0x4  }
0x163: {  	v59 =	vld [tilespmem:s20+$0x2970];
	_ =	sdelay $0x3  }
0x164: {  	v60 =	vpop (erf)  }
0x165: {  	v16 =	vmul.f32 v10, v10;
	[tilespmem:s20+$0x130] =	vst v13;
	v14 =	vmul.f32 v60, v59  }
0x166: {  	v9 =	vadd.f32 v10, v9;
	[tilespmem:s20+$0x7970] =	vst v60  }
0x167: {  	v8 =	vadd.f32 v16, v8;
	v61 =	vmul.f32 v11, v11;
	[tilespmem:s20+$0x7930] =	vst v14  }
0x168: {  	v7 =	vadd.f32 v11, v7;
	[tilespmem:$0xA100] =	vst v9  }
0x169: {  	v5 =	vadd.f32 v61, v5;
	v62 =	vmul.f32 v12, v12;
	[tilespmem:$0xA500] =	vst v8  }
0x16a: {  	v6 =	vadd.f32 v12, v6;
	[tilespmem:$0xA110] =	vst v7  }
0x16b: {  	v3 =	vadd.f32 v62, v3;
	v63 =	vmul.f32 v13, v13;
	[tilespmem:$0xA510] =	vst v5  }
0x16c: {  	v4 =	vadd.f32 v13, v4;
	[tilespmem:$0xA120] =	vst v6  }
0x16d: {  	v2 =	vadd.f32 v63, v2;
	[tilespmem:$0xA520] =	vst v3  }
0x16e: {  	[tilespmem:$0xA130] =	vst v4  }
0x16f: {  	s12 =	sadd.s32 s12, s19;
	[tilespmem:$0xA530] =	vst v2  }
0x170: {  	[hbm4b:s12+s2] =	stream.linear.scatter [tilespmem:s5], [sflag:$0x1], $0x2800, $0x38;
	[tilespmem:$0x1E180] =	vst v63  }
0x171: {  	s11 =	sadd.s32 $0x1, s11;
	_ =	swait.ge [sflag:s0], $0x2800  }
0x172: {  	p1 =	sne.s32 s11, $0xFA;
	[sflag:s0] =	ssyncset.done $0x0  }
.Ltmp2:
0x173: {  	[sflag:s0] =	ssyncadd.s32 $0xFFFFD800;
	(pc) =	sbr.rel @p1 .LBB2_4-.Ltmp2, $4  }
0x174: {  	[spmem:s1] =	stream.indirect.scatter.add.f32 [tilespmem:s31], [sflag:$0x1], $0x80, s3, s6, $0xb8;
	[tilespmem:$0x1E180] =	vst v63  }
0x175: {  	_ =	swait.ge [sflag:s0], $0x2800  }
0x176: {  	[sflag:s0] =	ssyncset.done $0x0  }
0x177: {  	[sflag:s0] =	ssyncadd.s32 $0xFFFFD800  }
0x178: {  	s10 =	rddreg [dreg:$0x4];
	s11 =	simm.s32 $0xA100  }
0x179: {  	[hbm4b:s10+s2] =	stream.linear.scatter [tilespmem:s11], [sflag:$0x1], $0x400, $0x38;
	[tilespmem:$0x1E180] =	vst v63  }
0x17a: {  	_ =	swait.ge [sflag:s0], $0x400  }
0x17b: {  	[sflag:s0] =	ssyncset.done $0x0  }
0x17c: {  	s20 =	simm.s32 $0xA500;
	s14 =	rddreg [dreg:$0x5];
	[sflag:s0] =	ssyncadd.s32 $0xFFFFFC00  }
0x17d: {  	[hbm4b:s14+s2] =	stream.linear.scatter [tilespmem:s20], [sflag:$0x1], $0x400, $0x38;
	[tilespmem:$0x1E180] =	vst v63  }
0x17e: {  	_ =	swait.ge [sflag:s0], $0x400  }
0x17f: {  	[sflag:s0] =	ssyncset.done $0x0  }
0x180: {  	s12 =	stileid.u32;
	[sflag:s0] =	ssyncadd.s32 $0xFFFFFC00  }
0x181: {  	s10 =	sshll.u32 s12, $0x6;
	[bflag:$0x0] =	sbarrier.arrive $0xFFFF  }
0x182: {  	s13 =	sshrl.u32 s21, $0x3;
	s10 =	sor.u32 $0x1C01, s10;
	s12 =	rddreg [dreg:$0x6]  }
0x183: {  	[hbm:s12], [sflag:s10] =	dma.local [spmem:s13], $0x500  }
0x184: {  	_ =	swait.ge [sflag:s0], $0x500  }
0x185: {  	[sflag:s0] =	ssyncset.done $0x0  }
0x186: {  	s14 =	sshrl.u32 s22, $0x3;
	s20 =	rddreg [dreg:$0x7];
	[sflag:s0] =	ssyncadd.s32 $0xFFFFFB00  }
0x187: {  	[hbm:s20], [sflag:s10] =	dma.local [spmem:s14], $0x500  }
0x188: {  	_ =	swait.ge [sflag:s0], $0x500  }
0x189: {  	[sflag:s0] =	ssyncset.done $0x0  }
0x18a: {  	s12 =	sshrl.u32 s23, $0x3;
	s13 =	rddreg [dreg:$0x8];
	[sflag:s0] =	ssyncadd.s32 $0xFFFFFB00  }
0x18b: {  	[hbm:s13], [sflag:s10] =	dma.local [spmem:s12], $0x500  }
0x18c: {  	_ =	swait.ge [sflag:s0], $0x500  }
0x18d: {  	[sflag:s0] =	ssyncset.done $0x0  }
0x18e: {  	s14 =	sshrl.u32 s24, $0x3;
	s20 =	rddreg [dreg:$0x9];
	[sflag:s0] =	ssyncadd.s32 $0xFFFFFB00  }
0x18f: {  	[hbm:s20], [sflag:s10] =	dma.local [spmem:s14], $0x500  }
0x190: {  	_ =	swait.ge [sflag:s0], $0x500  }
0x191: {  	[sflag:s0] =	ssyncset.done $0x0  }
0x192: {  	s12 =	sshrl.u32 s25, $0x3;
	s13 =	rddreg [dreg:$0xa];
	[sflag:s0] =	ssyncadd.s32 $0xFFFFFB00  }
0x193: {  	[hbm:s13], [sflag:s10] =	dma.local [spmem:s12], $0x500  }
0x194: {  	_ =	swait.ge [sflag:s0], $0x500  }
0x195: {  	[sflag:s0] =	ssyncset.done $0x0  }
0x196: {  	s14 =	sshrl.u32 s26, $0x3;
	s20 =	rddreg [dreg:$0xb];
	[sflag:s0] =	ssyncadd.s32 $0xFFFFFB00  }
0x197: {  	[hbm:s20], [sflag:s10] =	dma.local [spmem:s14], $0x500  }
0x198: {  	_ =	swait.ge [sflag:s0], $0x500  }
0x199: {  	[sflag:s0] =	ssyncset.done $0x0  }
0x19a: {  	s13 =	sshrl.u32 s28, $0x3;
	s14 =	rddreg [dreg:$0xc];
	[sflag:s0] =	ssyncadd.s32 $0xFFFFFB00  }
0x19b: {  	[hbm:s14], [sflag:s10] =	dma.local [spmem:s13], $0x500  }
0x19c: {  	_ =	swait.ge [sflag:s0], $0x500  }
0x19d: {  	[sflag:s0] =	ssyncset.done $0x0  }
0x19e: {  	s11 =	sshrl.u32 @!p0 s29, $0x3;
	s12 =	rddreg [dreg:$0xd];
	[sflag:s0] =	ssyncadd.s32 $0xFFFFFB00  }
0x19f: {  	[hbm:s12], [sflag:s10] =	dma.local @!p0 [spmem:s11], $0x500  }
0x1a0: {  	s10 =	simm.s32 @!p0 $0x1  }
0x1a1: {  	_ =	swait.ge @!p0 [sflag:s10], $0x500  }
0x1a2: {  	s9 =	sadd.s32 $0x1, s9;
	s20 =	rddreg [dreg:$0xe]  }
0x1a3: {  	p1 =	sne.s32 s9, s20  }
.Ltmp3:
0x1a4: {  	_ = 	snop;
	(pc) =	sbr.rel @p1 .LBB2_1-.Ltmp3, $3  }
0x1a5: {  	_ =	sdelay $0x1  }
0x1a6: {  	[sflag:s10] =	ssyncset.done @!p0 $0x0  }
0x1a7: {  	[sflag:s10] =	ssyncadd.s32 @!p0 $0xFFFFFB00  }
0x1a8: {  	_ =	sfence.sel $0x180000  }
0x1a9: {  	[bflag:$0x0] =	sbarrier.arrive $0xFFFF  }
0x1aa: {  	_ =	strace $0x90000047  }
0x1ab: {  	s0 =	stileid.u32;
	[bflag:$0x2] =	sbarrier.arrive $0xFFFF  }
0x1ac: {  	p0 =	sne.s32 s0, $0x0;
	s0 =	rddreg [dreg:$0x3]  }
0x1ad: {  	s0 =	sadd.s32 @!p0 $0x100000, s0  }
0x1ae: {  	[sflag:s0] =	ssyncadd.tile.s32 @!p0 $0x1;
	_ =	shalt  }
.Lfunc_end2:
_tile_overlayer_lowered:
.L_overlay_start_2:
0x1af: {  	(tag) =	ssettag $0x2  }
0x1b0: {  	s0 =	rddreg [dreg:$0x0];
	s2 =	stileid.u32  }
0x1b1: {  	s1 =	rddreg [dreg:$0x1];
	p0 =	sne.s32 s2, $0x0  }
0x1b2: {  	s3 =	rddreg [dreg:$0x2];
	[bflag:$0x3] =	sbarrier.arrive $0xFFFF;
	s2 =	simm.s32 @!p0 $0x1C01  }
0x1b3: {  	[timem:s3], [sflag:s2] =	dma.local @!p0 [hbm:s0], s1  }
0x1b4: {  	s0 =	simm.s32 @!p0 $0x1  }
0x1b5: {  	_ =	swait.ge @!p0 [sflag:s0], s1  }
0x1b6: {  	s1 =	ssub.s32 @!p0 $0x0, s1;
	[sflag:s0] =	ssyncset.done @!p0 $0x0  }
0x1b7: {  	[sflag:s0] =	ssyncadd.s32 @!p0 s1  }
0x1b8: {  	[bflag:$0x3] =	sbarrier.arrive $0xFFFF  }
0x1b9: {  	_ =	shalt  }

</sc_bundles>
